<compile_context>
chip_gen: v7x
topology: tpu7x:2x2x1
jax: 0.10.2.dev20260603
libtpu: 0.0.44.dev20260713+nightly
codegen_flags: <defaults>
</compile_context>

<pallas_src>
import functools

import jax
import jax.numpy as jnp
from jax import lax
from jax.experimental import pallas as pl
from jax.experimental.pallas import tpu as pltpu
from jax.experimental.pallas import tpu_sc as plsc

N = 10000
C = 128
K = 32
NW = 32
NPW = 320
NPAD = NW * NPW
CH = 4
NCHUNK = NPW // CH
BLK = 1024
NLANE = 16
NVEC = C // NLANE


def _tables_body(x_ref, w_ref, b_ref, a_ref, b2_ref):
    x = x_ref[...]
    w = w_ref[...]
    w1 = w[:, :C]
    w2 = w[:, C:]
    dn = (((0,), (1,)), ((), ()))
    a = lax.dot_general(x, w1 - w2, dn, preferred_element_type=jnp.float32)
    a_ref[...] = a + b_ref[...]
    b2_ref[...] = lax.dot_general(x, w2, dn, preferred_element_type=jnp.float32)


_tc_tables = pl.pallas_call(
    _tables_body,
    grid=(NPAD // BLK,),
    in_specs=[
        pl.BlockSpec((C, BLK), lambda i: (0, i)),
        pl.BlockSpec((C, 2 * C), lambda i: (0, 0)),
        pl.BlockSpec((1, C), lambda i: (0, 0)),
    ],
    out_specs=[
        pl.BlockSpec((BLK, C), lambda i: (i, 0)),
        pl.BlockSpec((BLK, C), lambda i: (i, 0)),
    ],
    out_shape=[jax.ShapeDtypeStruct((NPAD, C), jnp.float32)] * 2,
)


def _tr_body(i_ref, o_ref):
    o_ref[...] = i_ref[...].T


_tc_transpose = pl.pallas_call(
    _tr_body,
    grid=(NPAD // BLK,),
    in_specs=[pl.BlockSpec((BLK, C), lambda i: (i, 0))],
    out_specs=pl.BlockSpec((C, BLK), lambda i: (0, i)),
    out_shape=jax.ShapeDtypeStruct((C, NPAD), jnp.float32),
)


def _sc_body(at_hbm, bt_hbm, idx1_hbm, idx0_hbm, out_hbm,
             idx1_v, idx0_v, arows, brows, ostage, sem_a, sem_b):
    wid = lax.axis_index("s") * 2 + lax.axis_index("c")
    base = wid * NPW
    pltpu.sync_copy(idx1_hbm.at[pl.ds(base * K, NPW * K)], idx1_v)
    pltpu.sync_copy(idx0_hbm.at[pl.ds(base * K, NPW * K)], idx0_v)

    def chunk_body(ci, carry):
        off = ci * (CH * K)
        cp_a = pltpu.async_copy(at_hbm.at[idx1_v.at[pl.ds(off, CH * K)]],
                                arows, sem_a)
        cp_b = pltpu.async_copy(bt_hbm.at[idx0_v.at[pl.ds(off, CH * K)]],
                                brows, sem_b)
        cp_a.wait()
        cp_b.wait()
        for v in range(CH):
            def kstep(k, accs, _v=v):
                row = _v * K + k
                return tuple(
                    jnp.maximum(accs[l],
                                arows[row, pl.ds(l * NLANE, NLANE)]
                                + brows[row, pl.ds(l * NLANE, NLANE)])
                    for l in range(NVEC))
            init = tuple(jnp.full((NLANE,), -jnp.inf, jnp.float32)
                         for _ in range(NVEC))
            accs = lax.fori_loop(0, K, kstep, init)
            for l in range(NVEC):
                ostage[v, pl.ds(l * NLANE, NLANE)] = jnp.maximum(accs[l], 0.0)
        pltpu.sync_copy(ostage, out_hbm.at[pl.ds(base + ci * CH, CH)])
        return carry

    lax.fori_loop(0, NCHUNK, chunk_body, 0)


_sc_gather_max = functools.partial(
    pl.kernel,
    out_type=jax.ShapeDtypeStruct((NPAD, C), jnp.float32),
    mesh=plsc.VectorSubcoreMesh(core_axis_name="c", subcore_axis_name="s"),
    scratch_types=[
        pltpu.VMEM((NPW * K,), jnp.int32),
        pltpu.VMEM((NPW * K,), jnp.int32),
        pltpu.VMEM((CH * K, C), jnp.float32),
        pltpu.VMEM((CH * K, C), jnp.float32),
        pltpu.VMEM((CH, C), jnp.float32),
        pltpu.SemaphoreType.DMA,
        pltpu.SemaphoreType.DMA,
    ],
)(_sc_body)


def kernel(x, edge_index, W, b):
    X = x[0, :, :, 0]
    Xp = jnp.pad(X, ((0, 0), (0, NPAD - N)))
    idx1 = jnp.pad(edge_index[1, 0].reshape(-1), (0, (NPAD - N) * K))
    idx0 = jnp.pad(edge_index[0, 0].reshape(-1), (0, (NPAD - N) * K))
    at, bt = _tc_tables(Xp, W, b.reshape(1, C))
    out_t = _sc_gather_max(at, bt, idx1, idx0)
    yt = _tc_transpose(out_t)
    return yt[:, :N][None, :, :, None]

# --- scband reference (transcript-rebuilt; emitter-appended) ---
"""Pipeline reference for scband-graph-conv2d-41308995453321 (READ-ONLY COPY).

The authoritative reference and input builder live on the scoring server;
editing this copy changes nothing except your own understanding.
"""

import jax, jax.numpy as jnp
import numpy as np


def batched_index_select(x, idx):
    # x: [B, C, N, 1], idx: [B, N, k] -> [B, C, N, k]
    B, C, N, _ = x.shape
    _, Nv, k = idx.shape
    xf = x[..., 0]  # [B, C, N]
    idx_b = jnp.broadcast_to(idx.reshape(B, 1, Nv * k), (B, C, Nv * k))
    out = jnp.take_along_axis(xf, idx_b, axis=2)
    return out.reshape(B, C, Nv, k)


def setup_inputs(seed: int = 0):
    key = jax.random.key(seed)
    k1, k2, k3, k4 = jax.random.split(key, 4)
    B, C, N, K = 1, 128, 10000, 32
    Cout = 128
    x = jax.random.normal(k1, (B, C, N, 1), dtype=jnp.float32)
    edge_index = jax.random.randint(k2, (2, B, N, K), 0, N, dtype=jnp.int32)
    # BasicConv([2*C, Cout]) == pointwise Conv2d(2C -> Cout, kernel 1) + bias + ReLU
    W = jax.random.normal(k3, (Cout, 2 * C), dtype=jnp.float32) * (1.0 / np.sqrt(2 * C))
    b = jax.random.normal(k4, (Cout,), dtype=jnp.float32) * 0.01
    return {"x": x, "edge_index": edge_index, "W": W, "b": b}


def reference(x, edge_index, W, b):
    # EdgeConv2d.forward (conv='edge' branch of GraphConv2d)
    x_i = batched_index_select(x, edge_index[1])  # [B, C, N, k]
    x_j = batched_index_select(x, edge_index[0])  # [B, C, N, k]
    h = jnp.concatenate([x_i, x_j - x_i], axis=1)  # [B, 2C, N, k]
    y = jnp.einsum('oc,bcnk->bonk', W, h) + b[None, :, None, None]
    y = jax.nn.relu(y)
    max_value = jnp.max(y, axis=-1, keepdims=True)  # [B, Cout, N, 1]
    return max_value

if __name__ == "__main__":
    import jax
    _d = setup_inputs()
    print(jax.jit(kernel)(*tuple(_d.values())))

</pallas_src>

<mosaic_0001>
#map = affine_map<(d0, d1) -> (0, 0)>
#map1 = affine_map<(d0, d1) -> (0)>
module attributes {stable_mosaic.version = 14 : i64} {
  func.func @_sc_body(%arg0: i32, %arg1: i32, %arg2: memref<10240x128xf32, #tpu.memory_space<hbm>>, %arg3: memref<10240x128xf32, #tpu.memory_space<hbm>>, %arg4: memref<327680xi32, #tpu.memory_space<hbm>>, %arg5: memref<327680xi32, #tpu.memory_space<hbm>>, %arg6: memref<10240x128xf32, #tpu.memory_space<hbm>>, %arg7: memref<10240xi32, #tpu.memory_space<vmem>>, %arg8: memref<10240xi32, #tpu.memory_space<vmem>>, %arg9: memref<128x128xf32, #tpu.memory_space<vmem>>, %arg10: memref<128x128xf32, #tpu.memory_space<vmem>>, %arg11: memref<4x128xf32, #tpu.memory_space<vmem>>, %arg12: memref<!tpu.dma_semaphore, #tpu.memory_space<semaphore_mem>>, %arg13: memref<!tpu.dma_semaphore, #tpu.memory_space<semaphore_mem>>) attributes {dimension_semantics = [#tpu.dimension_semantics<core_parallel>, #tpu.dimension_semantics<subcore_parallel>], iteration_bounds = array<i64: 2, 16>, scalar_prefetch = 0 : i64, scratch_operands = 7 : i64, tpu.core_type = #tpu.core_type<sc_vector_subcore>, window_params = [{transform_indices = #map}, {transform_indices = #map}, {transform_indices = #map1}, {transform_indices = #map1}, {transform_indices = #map}]} {
    %mul3A = arith.constant 2 : i32
    %mul3A_0 = arith.muli %arg1, %mul3A : i32
    %add3A = arith.addi %mul3A_0, %arg0 : i32
    %mul3A_1 = arith.constant 320 : i32
    %mul3A_2 = arith.muli %add3A, %mul3A_1 : i32
    %mul3A_3 = arith.constant 32 : i32
    %mul3A_4 = arith.muli %mul3A_2, %mul3A_3 : i32
    "tpu.region"() ({
      %run_scoped3A = tpu.sem_alloc : memref<!tpu.dma_semaphore, #tpu.memory_space<semaphore_mem>>
      %dma_start3A = tpu.memref_slice %arg4[%mul3A_4] : memref<327680xi32, #tpu.memory_space<hbm>> -> memref<10240xi32, #tpu.memory_space<hbm>>
      %dma_start3A_12 = tpu.memref_slice %arg4[%mul3A_4] : memref<327680xi32, #tpu.memory_space<hbm>> -> memref<10240xi32, #tpu.memory_space<hbm>>
      tpu.enqueue_dma source(%dma_start3A_12 : memref<10240xi32, #tpu.memory_space<hbm>>) target(%arg7 : memref<10240xi32, #tpu.memory_space<vmem>>) target_semaphore(%run_scoped3A : memref<!tpu.dma_semaphore, #tpu.memory_space<semaphore_mem>>)
      %dma_wait3A = tpu.memref_slice %arg4[%mul3A_4] : memref<327680xi32, #tpu.memory_space<hbm>> -> memref<10240xi32, #tpu.memory_space<hbm>>
      %dma_wait3A_13 = tpu.memref_slice %arg4[%mul3A_4] : memref<327680xi32, #tpu.memory_space<hbm>> -> memref<10240xi32, #tpu.memory_space<hbm>>
      tpu.wait_dma2 semaphore(%run_scoped3A : memref<!tpu.dma_semaphore, #tpu.memory_space<semaphore_mem>>) src(%dma_wait3A_13 : memref<10240xi32, #tpu.memory_space<hbm>>) dst(%arg7 : memref<10240xi32, #tpu.memory_space<vmem>>)
      tpu.yield
    }) : () -> ()
    %mul3A_5 = arith.constant 32 : i32
    %mul3A_6 = arith.muli %mul3A_2, %mul3A_5 : i32
    "tpu.region"() ({
      %run_scoped3A = tpu.sem_alloc : memref<!tpu.dma_semaphore, #tpu.memory_space<semaphore_mem>>
      %dma_start3A = tpu.memref_slice %arg5[%mul3A_6] : memref<327680xi32, #tpu.memory_space<hbm>> -> memref<10240xi32, #tpu.memory_space<hbm>>
      %dma_start3A_12 = tpu.memref_slice %arg5[%mul3A_6] : memref<327680xi32, #tpu.memory_space<hbm>> -> memref<10240xi32, #tpu.memory_space<hbm>>
      tpu.enqueue_dma source(%dma_start3A_12 : memref<10240xi32, #tpu.memory_space<hbm>>) target(%arg8 : memref<10240xi32, #tpu.memory_space<vmem>>) target_semaphore(%run_scoped3A : memref<!tpu.dma_semaphore, #tpu.memory_space<semaphore_mem>>)
      %dma_wait3A = tpu.memref_slice %arg5[%mul3A_6] : memref<327680xi32, #tpu.memory_space<hbm>> -> memref<10240xi32, #tpu.memory_space<hbm>>
      %dma_wait3A_13 = tpu.memref_slice %arg5[%mul3A_6] : memref<327680xi32, #tpu.memory_space<hbm>> -> memref<10240xi32, #tpu.memory_space<hbm>>
      tpu.wait_dma2 semaphore(%run_scoped3A : memref<!tpu.dma_semaphore, #tpu.memory_space<semaphore_mem>>) src(%dma_wait3A_13 : memref<10240xi32, #tpu.memory_space<hbm>>) dst(%arg8 : memref<10240xi32, #tpu.memory_space<vmem>>)
      tpu.yield
    }) : () -> ()
    %scan3A = arith.constant 0 : i32
    %scan3A_7 = arith.constant 0 : i32
    %scan3A_8 = arith.constant 80 : i32
    %scan3A_9 = arith.addi %scan3A_7, %scan3A_8 : i32
    %scan3A_10 = arith.constant 1 : i32
    scf.for %scan3A_12 = %scan3A_7 to %scan3A_9 step %scan3A_10  : i32 {
      %mul3A_13 = arith.constant 128 : i32
      %mul3A_14 = arith.muli %scan3A_12, %mul3A_13 : i32
      %dma_start3A = tpu.memref_slice %arg7[%mul3A_14] : memref<10240xi32, #tpu.memory_space<vmem>> -> memref<128xi32, #tpu.memory_space<vmem>>
      %dma_start3A_15 = arith.constant 0 : i32
      %dma_start3A_16 = arith.constant 0 : i32
      %dma_start3A_17 = tpu.memref_slice %arg2[%dma_start3A_15, %dma_start3A_16] : memref<10240x128xf32, #tpu.memory_space<hbm>> -> memref<10240x128xf32, #tpu.memory_space<hbm>>
      tpu.enqueue_indirect_dma source(%dma_start3A_17 : memref<10240x128xf32, #tpu.memory_space<hbm>>) target(%arg9 : memref<128x128xf32, #tpu.memory_space<vmem>>) offsets(%dma_start3A : memref<128xi32, #tpu.memory_space<vmem>>) semaphore(%arg12 : memref<!tpu.dma_semaphore, #tpu.memory_space<semaphore_mem>>)
      %dma_start3A_18 = tpu.memref_slice %arg8[%mul3A_14] : memref<10240xi32, #tpu.memory_space<vmem>> -> memref<128xi32, #tpu.memory_space<vmem>>
      %dma_start3A_19 = arith.constant 0 : i32
      %dma_start3A_20 = arith.constant 0 : i32
      %dma_start3A_21 = tpu.memref_slice %arg3[%dma_start3A_19, %dma_start3A_20] : memref<10240x128xf32, #tpu.memory_space<hbm>> -> memref<10240x128xf32, #tpu.memory_space<hbm>>
      tpu.enqueue_indirect_dma source(%dma_start3A_21 : memref<10240x128xf32, #tpu.memory_space<hbm>>) target(%arg10 : memref<128x128xf32, #tpu.memory_space<vmem>>) offsets(%dma_start3A_18 : memref<128xi32, #tpu.memory_space<vmem>>) semaphore(%arg13 : memref<!tpu.dma_semaphore, #tpu.memory_space<semaphore_mem>>)
      %dma_wait3A = tpu.memref_slice %arg7[%mul3A_14] : memref<10240xi32, #tpu.memory_space<vmem>> -> memref<128xi32, #tpu.memory_space<vmem>>
      %dma_wait3A_22 = arith.constant 0 : i32
      %dma_wait3A_23 = arith.constant 0 : i32
      %dma_wait3A_24 = tpu.memref_slice %arg2[%dma_wait3A_22, %dma_wait3A_23] : memref<10240x128xf32, #tpu.memory_space<hbm>> -> memref<10240x128xf32, #tpu.memory_space<hbm>>
      tpu.wait_indirect_dma semaphore(%arg12 : memref<!tpu.dma_semaphore, #tpu.memory_space<semaphore_mem>>) src(%dma_wait3A_24 : memref<10240x128xf32, #tpu.memory_space<hbm>>) dst(%arg9 : memref<128x128xf32, #tpu.memory_space<vmem>>)
      %dma_wait3A_25 = tpu.memref_slice %arg8[%mul3A_14] : memref<10240xi32, #tpu.memory_space<vmem>> -> memref<128xi32, #tpu.memory_space<vmem>>
      %dma_wait3A_26 = arith.constant 0 : i32
      %dma_wait3A_27 = arith.constant 0 : i32
      %dma_wait3A_28 = tpu.memref_slice %arg3[%dma_wait3A_26, %dma_wait3A_27] : memref<10240x128xf32, #tpu.memory_space<hbm>> -> memref<10240x128xf32, #tpu.memory_space<hbm>>
      tpu.wait_indirect_dma semaphore(%arg13 : memref<!tpu.dma_semaphore, #tpu.memory_space<semaphore_mem>>) src(%dma_wait3A_28 : memref<10240x128xf32, #tpu.memory_space<hbm>>) dst(%arg10 : memref<128x128xf32, #tpu.memory_space<vmem>>)
      %broadcast_in_dim3A = arith.constant 0xFF800000 : f32
      %broadcast_in_dim3A_29 = vector.broadcast %broadcast_in_dim3A : f32 to vector<16xf32>
      %broadcast_in_dim3A_30 = arith.constant 0xFF800000 : f32
      %broadcast_in_dim3A_31 = vector.broadcast %broadcast_in_dim3A_30 : f32 to vector<16xf32>
      %broadcast_in_dim3A_32 = arith.constant 0xFF800000 : f32
      %broadcast_in_dim3A_33 = vector.broadcast %broadcast_in_dim3A_32 : f32 to vector<16xf32>
      %broadcast_in_dim3A_34 = arith.constant 0xFF800000 : f32
      %broadcast_in_dim3A_35 = vector.broadcast %broadcast_in_dim3A_34 : f32 to vector<16xf32>
      %broadcast_in_dim3A_36 = arith.constant 0xFF800000 : f32
      %broadcast_in_dim3A_37 = vector.broadcast %broadcast_in_dim3A_36 : f32 to vector<16xf32>
      %broadcast_in_dim3A_38 = arith.constant 0xFF800000 : f32
      %broadcast_in_dim3A_39 = vector.broadcast %broadcast_in_dim3A_38 : f32 to vector<16xf32>
      %broadcast_in_dim3A_40 = arith.constant 0xFF800000 : f32
      %broadcast_in_dim3A_41 = vector.broadcast %broadcast_in_dim3A_40 : f32 to vector<16xf32>
      %broadcast_in_dim3A_42 = arith.constant 0xFF800000 : f32
      %broadcast_in_dim3A_43 = vector.broadcast %broadcast_in_dim3A_42 : f32 to vector<16xf32>
      %scan3A_44 = arith.constant 0 : i32
      %scan3A_45 = arith.constant 32 : i32
      %scan3A_46 = arith.addi %scan3A_44, %scan3A_45 : i32
      %scan3A_47 = arith.constant 1 : i32
      %scan3A_48:8 = scf.for %scan3A_405 = %scan3A_44 to %scan3A_46 step %scan3A_47 iter_args(%scan3A_406 = %broadcast_in_dim3A_29, %scan3A_407 = %broadcast_in_dim3A_31, %scan3A_408 = %broadcast_in_dim3A_33, %scan3A_409 = %broadcast_in_dim3A_35, %scan3A_410 = %broadcast_in_dim3A_37, %scan3A_411 = %broadcast_in_dim3A_39, %scan3A_412 = %broadcast_in_dim3A_41, %scan3A_413 = %broadcast_in_dim3A_43) -> (vector<16xf32>, vector<16xf32>, vector<16xf32>, vector<16xf32>, vector<16xf32>, vector<16xf32>, vector<16xf32>, vector<16xf32>)  : i32 {
        %add3A_414 = arith.constant 0 : i32
        %add3A_415 = arith.addi %add3A_414, %scan3A_405 : i32
        %get3A = arith.index_cast %add3A_415 : i32 to index
        %get3A_416 = arith.constant 0 : index
        %get3A_417 = tpu.vector_load %arg9[%get3A, %get3A_416] {strides = array<i32>} : memref<128x128xf32, #tpu.memory_space<vmem>>, vector<1x16xf32>,
        %get3A_418 = vector.shape_cast %get3A_417 : vector<1x16xf32> to vector<16xf32>
        %get3A_419 = arith.index_cast %add3A_415 : i32 to index
        %get3A_420 = arith.constant 0 : index
        %get3A_421 = tpu.vector_load %arg10[%get3A_419, %get3A_420] {strides = array<i32>} : memref<128x128xf32, #tpu.memory_space<vmem>>, vector<1x16xf32>,
        %get3A_422 = vector.shape_cast %get3A_421 : vector<1x16xf32> to vector<16xf32>
        %add3A_423 = arith.addf %get3A_418, %get3A_422 : vector<16xf32>
        %max3A_424 = arith.maximumf %scan3A_406, %add3A_423 : vector<16xf32>
        %get3A_425 = arith.index_cast %add3A_415 : i32 to index
        %get3A_426 = arith.constant 16 : index
        %get3A_427 = tpu.vector_load %arg9[%get3A_425, %get3A_426] {strides = array<i32>} : memref<128x128xf32, #tpu.memory_space<vmem>>, vector<1x16xf32>,
        %get3A_428 = vector.shape_cast %get3A_427 : vector<1x16xf32> to vector<16xf32>
        %get3A_429 = arith.index_cast %add3A_415 : i32 to index
        %get3A_430 = arith.constant 16 : index
        %get3A_431 = tpu.vector_load %arg10[%get3A_429, %get3A_430] {strides = array<i32>} : memref<128x128xf32, #tpu.memory_space<vmem>>, vector<1x16xf32>,
        %get3A_432 = vector.shape_cast %get3A_431 : vector<1x16xf32> to vector<16xf32>
        %add3A_433 = arith.addf %get3A_428, %get3A_432 : vector<16xf32>
        %max3A_434 = arith.maximumf %scan3A_407, %add3A_433 : vector<16xf32>
        %get3A_435 = arith.index_cast %add3A_415 : i32 to index
        %get3A_436 = arith.constant 32 : index
        %get3A_437 = tpu.vector_load %arg9[%get3A_435, %get3A_436] {strides = array<i32>} : memref<128x128xf32, #tpu.memory_space<vmem>>, vector<1x16xf32>,
        %get3A_438 = vector.shape_cast %get3A_437 : vector<1x16xf32> to vector<16xf32>
        %get3A_439 = arith.index_cast %add3A_415 : i32 to index
        %get3A_440 = arith.constant 32 : index
        %get3A_441 = tpu.vector_load %arg10[%get3A_439, %get3A_440] {strides = array<i32>} : memref<128x128xf32, #tpu.memory_space<vmem>>, vector<1x16xf32>,
        %get3A_442 = vector.shape_cast %get3A_441 : vector<1x16xf32> to vector<16xf32>
        %add3A_443 = arith.addf %get3A_438, %get3A_442 : vector<16xf32>
        %max3A_444 = arith.maximumf %scan3A_408, %add3A_443 : vector<16xf32>
        %get3A_445 = arith.index_cast %add3A_415 : i32 to index
        %get3A_446 = arith.constant 48 : index
        %get3A_447 = tpu.vector_load %arg9[%get3A_445, %get3A_446] {strides = array<i32>} : memref<128x128xf32, #tpu.memory_space<vmem>>, vector<1x16xf32>,
        %get3A_448 = vector.shape_cast %get3A_447 : vector<1x16xf32> to vector<16xf32>
        %get3A_449 = arith.index_cast %add3A_415 : i32 to index
        %get3A_450 = arith.constant 48 : index
        %get3A_451 = tpu.vector_load %arg10[%get3A_449, %get3A_450] {strides = array<i32>} : memref<128x128xf32, #tpu.memory_space<vmem>>, vector<1x16xf32>,
        %get3A_452 = vector.shape_cast %get3A_451 : vector<1x16xf32> to vector<16xf32>
        %add3A_453 = arith.addf %get3A_448, %get3A_452 : vector<16xf32>
        %max3A_454 = arith.maximumf %scan3A_409, %add3A_453 : vector<16xf32>
        %get3A_455 = arith.index_cast %add3A_415 : i32 to index
        %get3A_456 = arith.constant 64 : index
        %get3A_457 = tpu.vector_load %arg9[%get3A_455, %get3A_456] {strides = array<i32>} : memref<128x128xf32, #tpu.memory_space<vmem>>, vector<1x16xf32>,
        %get3A_458 = vector.shape_cast %get3A_457 : vector<1x16xf32> to vector<16xf32>
        %get3A_459 = arith.index_cast %add3A_415 : i32 to index
        %get3A_460 = arith.constant 64 : index
        %get3A_461 = tpu.vector_load %arg10[%get3A_459, %get3A_460] {strides = array<i32>} : memref<128x128xf32, #tpu.memory_space<vmem>>, vector<1x16xf32>,
        %get3A_462 = vector.shape_cast %get3A_461 : vector<1x16xf32> to vector<16xf32>
        %add3A_463 = arith.addf %get3A_458, %get3A_462 : vector<16xf32>
        %max3A_464 = arith.maximumf %scan3A_410, %add3A_463 : vector<16xf32>
        %get3A_465 = arith.index_cast %add3A_415 : i32 to index
        %get3A_466 = arith.constant 80 : index
        %get3A_467 = tpu.vector_load %arg9[%get3A_465, %get3A_466] {strides = array<i32>} : memref<128x128xf32, #tpu.memory_space<vmem>>, vector<1x16xf32>,
        %get3A_468 = vector.shape_cast %get3A_467 : vector<1x16xf32> to vector<16xf32>
        %get3A_469 = arith.index_cast %add3A_415 : i32 to index
        %get3A_470 = arith.constant 80 : index
        %get3A_471 = tpu.vector_load %arg10[%get3A_469, %get3A_470] {strides = array<i32>} : memref<128x128xf32, #tpu.memory_space<vmem>>, vector<1x16xf32>,
        %get3A_472 = vector.shape_cast %get3A_471 : vector<1x16xf32> to vector<16xf32>
        %add3A_473 = arith.addf %get3A_468, %get3A_472 : vector<16xf32>
        %max3A_474 = arith.maximumf %scan3A_411, %add3A_473 : vector<16xf32>
        %get3A_475 = arith.index_cast %add3A_415 : i32 to index
        %get3A_476 = arith.constant 96 : index
        %get3A_477 = tpu.vector_load %arg9[%get3A_475, %get3A_476] {strides = array<i32>} : memref<128x128xf32, #tpu.memory_space<vmem>>, vector<1x16xf32>,
        %get3A_478 = vector.shape_cast %get3A_477 : vector<1x16xf32> to vector<16xf32>
        %get3A_479 = arith.index_cast %add3A_415 : i32 to index
        %get3A_480 = arith.constant 96 : index
        %get3A_481 = tpu.vector_load %arg10[%get3A_479, %get3A_480] {strides = array<i32>} : memref<128x128xf32, #tpu.memory_space<vmem>>, vector<1x16xf32>,
        %get3A_482 = vector.shape_cast %get3A_481 : vector<1x16xf32> to vector<16xf32>
        %add3A_483 = arith.addf %get3A_478, %get3A_482 : vector<16xf32>
        %max3A_484 = arith.maximumf %scan3A_412, %add3A_483 : vector<16xf32>
        %get3A_485 = arith.index_cast %add3A_415 : i32 to index
        %get3A_486 = arith.constant 112 : index
        %get3A_487 = tpu.vector_load %arg9[%get3A_485, %get3A_486] {strides = array<i32>} : memref<128x128xf32, #tpu.memory_space<vmem>>, vector<1x16xf32>,
        %get3A_488 = vector.shape_cast %get3A_487 : vector<1x16xf32> to vector<16xf32>
        %get3A_489 = arith.index_cast %add3A_415 : i32 to index
        %get3A_490 = arith.constant 112 : index
        %get3A_491 = tpu.vector_load %arg10[%get3A_489, %get3A_490] {strides = array<i32>} : memref<128x128xf32, #tpu.memory_space<vmem>>, vector<1x16xf32>,
        %get3A_492 = vector.shape_cast %get3A_491 : vector<1x16xf32> to vector<16xf32>
        %add3A_493 = arith.addf %get3A_488, %get3A_492 : vector<16xf32>
        %max3A_494 = arith.maximumf %scan3A_413, %add3A_493 : vector<16xf32>
        scf.yield %max3A_424, %max3A_434, %max3A_444, %max3A_454, %max3A_464, %max3A_474, %max3A_484, %max3A_494 : vector<16xf32>, vector<16xf32>, vector<16xf32>, vector<16xf32>, vector<16xf32>, vector<16xf32>, vector<16xf32>, vector<16xf32>
      }
      %scan3A_49 = arith.constant 32 : i32
      %max3A = arith.constant 0.000000e+00 : f32
      %max3A_50 = vector.broadcast %max3A : f32 to vector<16xf32>
      %max3A_51 = arith.maximumf %scan3A_48#0, %max3A_50 : vector<16xf32>
      %swap3A = arith.constant 0 : i32
      %swap3A_52 = arith.index_cast %swap3A : i32 to index
      %swap3A_53 = arith.constant 0 : index
      %swap3A_54 = tpu.vector_load %arg11[%swap3A_52, %swap3A_53] {strides = array<i32>} : memref<4x128xf32, #tpu.memory_space<vmem>>, vector<1x16xf32>,
      %swap3A_55 = vector.shape_cast %swap3A_54 : vector<1x16xf32> to vector<16xf32>
      %swap3A_56 = vector.shape_cast %max3A_51 : vector<16xf32> to vector<1x16xf32>
      tpu.vector_store %arg11[%swap3A_52, %swap3A_53], %swap3A_56 {strides = array<i32>} : memref<4x128xf32, #tpu.memory_space<vmem>>, vector<1x16xf32>,
      %max3A_57 = arith.constant 0.000000e+00 : f32
      %max3A_58 = vector.broadcast %max3A_57 : f32 to vector<16xf32>
      %max3A_59 = arith.maximumf %scan3A_48#1, %max3A_58 : vector<16xf32>
      %swap3A_60 = arith.constant 0 : i32
      %swap3A_61 = arith.index_cast %swap3A_60 : i32 to index
      %swap3A_62 = arith.constant 16 : index
      %swap3A_63 = tpu.vector_load %arg11[%swap3A_61, %swap3A_62] {strides = array<i32>} : memref<4x128xf32, #tpu.memory_space<vmem>>, vector<1x16xf32>,
      %swap3A_64 = vector.shape_cast %swap3A_63 : vector<1x16xf32> to vector<16xf32>
      %swap3A_65 = vector.shape_cast %max3A_59 : vector<16xf32> to vector<1x16xf32>
      tpu.vector_store %arg11[%swap3A_61, %swap3A_62], %swap3A_65 {strides = array<i32>} : memref<4x128xf32, #tpu.memory_space<vmem>>, vector<1x16xf32>,
      %max3A_66 = arith.constant 0.000000e+00 : f32
      %max3A_67 = vector.broadcast %max3A_66 : f32 to vector<16xf32>
      %max3A_68 = arith.maximumf %scan3A_48#2, %max3A_67 : vector<16xf32>
      %swap3A_69 = arith.constant 0 : i32
      %swap3A_70 = arith.index_cast %swap3A_69 : i32 to index
      %swap3A_71 = arith.constant 32 : index
      %swap3A_72 = tpu.vector_load %arg11[%swap3A_70, %swap3A_71] {strides = array<i32>} : memref<4x128xf32, #tpu.memory_space<vmem>>, vector<1x16xf32>,
      %swap3A_73 = vector.shape_cast %swap3A_72 : vector<1x16xf32> to vector<16xf32>
      %swap3A_74 = vector.shape_cast %max3A_68 : vector<16xf32> to vector<1x16xf32>
      tpu.vector_store %arg11[%swap3A_70, %swap3A_71], %swap3A_74 {strides = array<i32>} : memref<4x128xf32, #tpu.memory_space<vmem>>, vector<1x16xf32>,
      %max3A_75 = arith.constant 0.000000e+00 : f32
      %max3A_76 = vector.broadcast %max3A_75 : f32 to vector<16xf32>
      %max3A_77 = arith.maximumf %scan3A_48#3, %max3A_76 : vector<16xf32>
      %swap3A_78 = arith.constant 0 : i32
      %swap3A_79 = arith.index_cast %swap3A_78 : i32 to index
      %swap3A_80 = arith.constant 48 : index
      %swap3A_81 = tpu.vector_load %arg11[%swap3A_79, %swap3A_80] {strides = array<i32>} : memref<4x128xf32, #tpu.memory_space<vmem>>, vector<1x16xf32>,
      %swap3A_82 = vector.shape_cast %swap3A_81 : vector<1x16xf32> to vector<16xf32>
      %swap3A_83 = vector.shape_cast %max3A_77 : vector<16xf32> to vector<1x16xf32>
      tpu.vector_store %arg11[%swap3A_79, %swap3A_80], %swap3A_83 {strides = array<i32>} : memref<4x128xf32, #tpu.memory_space<vmem>>, vector<1x16xf32>,
      %max3A_84 = arith.constant 0.000000e+00 : f32
      %max3A_85 = vector.broadcast %max3A_84 : f32 to vector<16xf32>
      %max3A_86 = arith.maximumf %scan3A_48#4, %max3A_85 : vector<16xf32>
      %swap3A_87 = arith.constant 0 : i32
      %swap3A_88 = arith.index_cast %swap3A_87 : i32 to index
      %swap3A_89 = arith.constant 64 : index
      %swap3A_90 = tpu.vector_load %arg11[%swap3A_88, %swap3A_89] {strides = array<i32>} : memref<4x128xf32, #tpu.memory_space<vmem>>, vector<1x16xf32>,
      %swap3A_91 = vector.shape_cast %swap3A_90 : vector<1x16xf32> to vector<16xf32>
      %swap3A_92 = vector.shape_cast %max3A_86 : vector<16xf32> to vector<1x16xf32>
      tpu.vector_store %arg11[%swap3A_88, %swap3A_89], %swap3A_92 {strides = array<i32>} : memref<4x128xf32, #tpu.memory_space<vmem>>, vector<1x16xf32>,
      %max3A_93 = arith.constant 0.000000e+00 : f32
      %max3A_94 = vector.broadcast %max3A_93 : f32 to vector<16xf32>
      %max3A_95 = arith.maximumf %scan3A_48#5, %max3A_94 : vector<16xf32>
      %swap3A_96 = arith.constant 0 : i32
      %swap3A_97 = arith.index_cast %swap3A_96 : i32 to index
      %swap3A_98 = arith.constant 80 : index
      %swap3A_99 = tpu.vector_load %arg11[%swap3A_97, %swap3A_98] {strides = array<i32>} : memref<4x128xf32, #tpu.memory_space<vmem>>, vector<1x16xf32>,
      %swap3A_100 = vector.shape_cast %swap3A_99 : vector<1x16xf32> to vector<16xf32>
      %swap3A_101 = vector.shape_cast %max3A_95 : vector<16xf32> to vector<1x16xf32>
      tpu.vector_store %arg11[%swap3A_97, %swap3A_98], %swap3A_101 {strides = array<i32>} : memref<4x128xf32, #tpu.memory_space<vmem>>, vector<1x16xf32>,
      %max3A_102 = arith.constant 0.000000e+00 : f32
      %max3A_103 = vector.broadcast %max3A_102 : f32 to vector<16xf32>
      %max3A_104 = arith.maximumf %scan3A_48#6, %max3A_103 : vector<16xf32>
      %swap3A_105 = arith.constant 0 : i32
      %swap3A_106 = arith.index_cast %swap3A_105 : i32 to index
      %swap3A_107 = arith.constant 96 : index
      %swap3A_108 = tpu.vector_load %arg11[%swap3A_106, %swap3A_107] {strides = array<i32>} : memref<4x128xf32, #tpu.memory_space<vmem>>, vector<1x16xf32>,
      %swap3A_109 = vector.shape_cast %swap3A_108 : vector<1x16xf32> to vector<16xf32>
      %swap3A_110 = vector.shape_cast %max3A_104 : vector<16xf32> to vector<1x16xf32>
      tpu.vector_store %arg11[%swap3A_106, %swap3A_107], %swap3A_110 {strides = array<i32>} : memref<4x128xf32, #tpu.memory_space<vmem>>, vector<1x16xf32>,
      %max3A_111 = arith.constant 0.000000e+00 : f32
      %max3A_112 = vector.broadcast %max3A_111 : f32 to vector<16xf32>
      %max3A_113 = arith.maximumf %scan3A_48#7, %max3A_112 : vector<16xf32>
      %swap3A_114 = arith.constant 0 : i32
      %swap3A_115 = arith.index_cast %swap3A_114 : i32 to index
      %swap3A_116 = arith.constant 112 : index
      %swap3A_117 = tpu.vector_load %arg11[%swap3A_115, %swap3A_116] {strides = array<i32>} : memref<4x128xf32, #tpu.memory_space<vmem>>, vector<1x16xf32>,
      %swap3A_118 = vector.shape_cast %swap3A_117 : vector<1x16xf32> to vector<16xf32>
      %swap3A_119 = vector.shape_cast %max3A_113 : vector<16xf32> to vector<1x16xf32>
      tpu.vector_store %arg11[%swap3A_115, %swap3A_116], %swap3A_119 {strides = array<i32>} : memref<4x128xf32, #tpu.memory_space<vmem>>, vector<1x16xf32>,
      %broadcast_in_dim3A_120 = arith.constant 0xFF800000 : f32
      %broadcast_in_dim3A_121 = vector.broadcast %broadcast_in_dim3A_120 : f32 to vector<16xf32>
      %broadcast_in_dim3A_122 = arith.constant 0xFF800000 : f32
      %broadcast_in_dim3A_123 = vector.broadcast %broadcast_in_dim3A_122 : f32 to vector<16xf32>
      %broadcast_in_dim3A_124 = arith.constant 0xFF800000 : f32
      %broadcast_in_dim3A_125 = vector.broadcast %broadcast_in_dim3A_124 : f32 to vector<16xf32>
      %broadcast_in_dim3A_126 = arith.constant 0xFF800000 : f32
      %broadcast_in_dim3A_127 = vector.broadcast %broadcast_in_dim3A_126 : f32 to vector<16xf32>
      %broadcast_in_dim3A_128 = arith.constant 0xFF800000 : f32
      %broadcast_in_dim3A_129 = vector.broadcast %broadcast_in_dim3A_128 : f32 to vector<16xf32>
      %broadcast_in_dim3A_130 = arith.constant 0xFF800000 : f32
      %broadcast_in_dim3A_131 = vector.broadcast %broadcast_in_dim3A_130 : f32 to vector<16xf32>
      %broadcast_in_dim3A_132 = arith.constant 0xFF800000 : f32
      %broadcast_in_dim3A_133 = vector.broadcast %broadcast_in_dim3A_132 : f32 to vector<16xf32>
      %broadcast_in_dim3A_134 = arith.constant 0xFF800000 : f32
      %broadcast_in_dim3A_135 = vector.broadcast %broadcast_in_dim3A_134 : f32 to vector<16xf32>
      %scan3A_136 = arith.constant 0 : i32
      %scan3A_137 = arith.constant 32 : i32
      %scan3A_138 = arith.addi %scan3A_136, %scan3A_137 : i32
      %scan3A_139 = arith.constant 1 : i32
      %scan3A_140:8 = scf.for %scan3A_405 = %scan3A_136 to %scan3A_138 step %scan3A_139 iter_args(%scan3A_406 = %broadcast_in_dim3A_121, %scan3A_407 = %broadcast_in_dim3A_123, %scan3A_408 = %broadcast_in_dim3A_125, %scan3A_409 = %broadcast_in_dim3A_127, %scan3A_410 = %broadcast_in_dim3A_129, %scan3A_411 = %broadcast_in_dim3A_131, %scan3A_412 = %broadcast_in_dim3A_133, %scan3A_413 = %broadcast_in_dim3A_135) -> (vector<16xf32>, vector<16xf32>, vector<16xf32>, vector<16xf32>, vector<16xf32>, vector<16xf32>, vector<16xf32>, vector<16xf32>)  : i32 {
        %add3A_414 = arith.constant 32 : i32
        %add3A_415 = arith.addi %add3A_414, %scan3A_405 : i32
        %get3A = arith.index_cast %add3A_415 : i32 to index
        %get3A_416 = arith.constant 0 : index
        %get3A_417 = tpu.vector_load %arg9[%get3A, %get3A_416] {strides = array<i32>} : memref<128x128xf32, #tpu.memory_space<vmem>>, vector<1x16xf32>,
        %get3A_418 = vector.shape_cast %get3A_417 : vector<1x16xf32> to vector<16xf32>
        %get3A_419 = arith.index_cast %add3A_415 : i32 to index
        %get3A_420 = arith.constant 0 : index
        %get3A_421 = tpu.vector_load %arg10[%get3A_419, %get3A_420] {strides = array<i32>} : memref<128x128xf32, #tpu.memory_space<vmem>>, vector<1x16xf32>,
        %get3A_422 = vector.shape_cast %get3A_421 : vector<1x16xf32> to vector<16xf32>
        %add3A_423 = arith.addf %get3A_418, %get3A_422 : vector<16xf32>
        %max3A_424 = arith.maximumf %scan3A_406, %add3A_423 : vector<16xf32>
        %get3A_425 = arith.index_cast %add3A_415 : i32 to index
        %get3A_426 = arith.constant 16 : index
        %get3A_427 = tpu.vector_load %arg9[%get3A_425, %get3A_426] {strides = array<i32>} : memref<128x128xf32, #tpu.memory_space<vmem>>, vector<1x16xf32>,
        %get3A_428 = vector.shape_cast %get3A_427 : vector<1x16xf32> to vector<16xf32>
        %get3A_429 = arith.index_cast %add3A_415 : i32 to index
        %get3A_430 = arith.constant 16 : index
        %get3A_431 = tpu.vector_load %arg10[%get3A_429, %get3A_430] {strides = array<i32>} : memref<128x128xf32, #tpu.memory_space<vmem>>, vector<1x16xf32>,
        %get3A_432 = vector.shape_cast %get3A_431 : vector<1x16xf32> to vector<16xf32>
        %add3A_433 = arith.addf %get3A_428, %get3A_432 : vector<16xf32>
        %max3A_434 = arith.maximumf %scan3A_407, %add3A_433 : vector<16xf32>
        %get3A_435 = arith.index_cast %add3A_415 : i32 to index
        %get3A_436 = arith.constant 32 : index
        %get3A_437 = tpu.vector_load %arg9[%get3A_435, %get3A_436] {strides = array<i32>} : memref<128x128xf32, #tpu.memory_space<vmem>>, vector<1x16xf32>,
        %get3A_438 = vector.shape_cast %get3A_437 : vector<1x16xf32> to vector<16xf32>
        %get3A_439 = arith.index_cast %add3A_415 : i32 to index
        %get3A_440 = arith.constant 32 : index
        %get3A_441 = tpu.vector_load %arg10[%get3A_439, %get3A_440] {strides = array<i32>} : memref<128x128xf32, #tpu.memory_space<vmem>>, vector<1x16xf32>,
        %get3A_442 = vector.shape_cast %get3A_441 : vector<1x16xf32> to vector<16xf32>
        %add3A_443 = arith.addf %get3A_438, %get3A_442 : vector<16xf32>
        %max3A_444 = arith.maximumf %scan3A_408, %add3A_443 : vector<16xf32>
        %get3A_445 = arith.index_cast %add3A_415 : i32 to index
        %get3A_446 = arith.constant 48 : index
        %get3A_447 = tpu.vector_load %arg9[%get3A_445, %get3A_446] {strides = array<i32>} : memref<128x128xf32, #tpu.memory_space<vmem>>, vector<1x16xf32>,
        %get3A_448 = vector.shape_cast %get3A_447 : vector<1x16xf32> to vector<16xf32>
        %get3A_449 = arith.index_cast %add3A_415 : i32 to index
        %get3A_450 = arith.constant 48 : index
        %get3A_451 = tpu.vector_load %arg10[%get3A_449, %get3A_450] {strides = array<i32>} : memref<128x128xf32, #tpu.memory_space<vmem>>, vector<1x16xf32>,
        %get3A_452 = vector.shape_cast %get3A_451 : vector<1x16xf32> to vector<16xf32>
        %add3A_453 = arith.addf %get3A_448, %get3A_452 : vector<16xf32>
        %max3A_454 = arith.maximumf %scan3A_409, %add3A_453 : vector<16xf32>
        %get3A_455 = arith.index_cast %add3A_415 : i32 to index
        %get3A_456 = arith.constant 64 : index
        %get3A_457 = tpu.vector_load %arg9[%get3A_455, %get3A_456] {strides = array<i32>} : memref<128x128xf32, #tpu.memory_space<vmem>>, vector<1x16xf32>,
        %get3A_458 = vector.shape_cast %get3A_457 : vector<1x16xf32> to vector<16xf32>
        %get3A_459 = arith.index_cast %add3A_415 : i32 to index
        %get3A_460 = arith.constant 64 : index
        %get3A_461 = tpu.vector_load %arg10[%get3A_459, %get3A_460] {strides = array<i32>} : memref<128x128xf32, #tpu.memory_space<vmem>>, vector<1x16xf32>,
        %get3A_462 = vector.shape_cast %get3A_461 : vector<1x16xf32> to vector<16xf32>
        %add3A_463 = arith.addf %get3A_458, %get3A_462 : vector<16xf32>
        %max3A_464 = arith.maximumf %scan3A_410, %add3A_463 : vector<16xf32>
        %get3A_465 = arith.index_cast %add3A_415 : i32 to index
        %get3A_466 = arith.constant 80 : index
        %get3A_467 = tpu.vector_load %arg9[%get3A_465, %get3A_466] {strides = array<i32>} : memref<128x128xf32, #tpu.memory_space<vmem>>, vector<1x16xf32>,
        %get3A_468 = vector.shape_cast %get3A_467 : vector<1x16xf32> to vector<16xf32>
        %get3A_469 = arith.index_cast %add3A_415 : i32 to index
        %get3A_470 = arith.constant 80 : index
        %get3A_471 = tpu.vector_load %arg10[%get3A_469, %get3A_470] {strides = array<i32>} : memref<128x128xf32, #tpu.memory_space<vmem>>, vector<1x16xf32>,
        %get3A_472 = vector.shape_cast %get3A_471 : vector<1x16xf32> to vector<16xf32>
        %add3A_473 = arith.addf %get3A_468, %get3A_472 : vector<16xf32>
        %max3A_474 = arith.maximumf %scan3A_411, %add3A_473 : vector<16xf32>
        %get3A_475 = arith.index_cast %add3A_415 : i32 to index
        %get3A_476 = arith.constant 96 : index
        %get3A_477 = tpu.vector_load %arg9[%get3A_475, %get3A_476] {strides = array<i32>} : memref<128x128xf32, #tpu.memory_space<vmem>>, vector<1x16xf32>,
        %get3A_478 = vector.shape_cast %get3A_477 : vector<1x16xf32> to vector<16xf32>
        %get3A_479 = arith.index_cast %add3A_415 : i32 to index
        %get3A_480 = arith.constant 96 : index
        %get3A_481 = tpu.vector_load %arg10[%get3A_479, %get3A_480] {strides = array<i32>} : memref<128x128xf32, #tpu.memory_space<vmem>>, vector<1x16xf32>,
        %get3A_482 = vector.shape_cast %get3A_481 : vector<1x16xf32> to vector<16xf32>
        %add3A_483 = arith.addf %get3A_478, %get3A_482 : vector<16xf32>
        %max3A_484 = arith.maximumf %scan3A_412, %add3A_483 : vector<16xf32>
        %get3A_485 = arith.index_cast %add3A_415 : i32 to index
        %get3A_486 = arith.constant 112 : index
        %get3A_487 = tpu.vector_load %arg9[%get3A_485, %get3A_486] {strides = array<i32>} : memref<128x128xf32, #tpu.memory_space<vmem>>, vector<1x16xf32>,
        %get3A_488 = vector.shape_cast %get3A_487 : vector<1x16xf32> to vector<16xf32>
        %get3A_489 = arith.index_cast %add3A_415 : i32 to index
        %get3A_490 = arith.constant 112 : index
        %get3A_491 = tpu.vector_load %arg10[%get3A_489, %get3A_490] {strides = array<i32>} : memref<128x128xf32, #tpu.memory_space<vmem>>, vector<1x16xf32>,
        %get3A_492 = vector.shape_cast %get3A_491 : vector<1x16xf32> to vector<16xf32>
        %add3A_493 = arith.addf %get3A_488, %get3A_492 : vector<16xf32>
        %max3A_494 = arith.maximumf %scan3A_413, %add3A_493 : vector<16xf32>
        scf.yield %max3A_424, %max3A_434, %max3A_444, %max3A_454, %max3A_464, %max3A_474, %max3A_484, %max3A_494 : vector<16xf32>, vector<16xf32>, vector<16xf32>, vector<16xf32>, vector<16xf32>, vector<16xf32>, vector<16xf32>, vector<16xf32>
      }
      %scan3A_141 = arith.constant 32 : i32
      %max3A_142 = arith.constant 0.000000e+00 : f32
      %max3A_143 = vector.broadcast %max3A_142 : f32 to vector<16xf32>
      %max3A_144 = arith.maximumf %scan3A_140#0, %max3A_143 : vector<16xf32>
      %swap3A_145 = arith.constant 1 : i32
      %swap3A_146 = arith.index_cast %swap3A_145 : i32 to index
      %swap3A_147 = arith.constant 0 : index
      %swap3A_148 = tpu.vector_load %arg11[%swap3A_146, %swap3A_147] {strides = array<i32>} : memref<4x128xf32, #tpu.memory_space<vmem>>, vector<1x16xf32>,
      %swap3A_149 = vector.shape_cast %swap3A_148 : vector<1x16xf32> to vector<16xf32>
      %swap3A_150 = vector.shape_cast %max3A_144 : vector<16xf32> to vector<1x16xf32>
      tpu.vector_store %arg11[%swap3A_146, %swap3A_147], %swap3A_150 {strides = array<i32>} : memref<4x128xf32, #tpu.memory_space<vmem>>, vector<1x16xf32>,
      %max3A_151 = arith.constant 0.000000e+00 : f32
      %max3A_152 = vector.broadcast %max3A_151 : f32 to vector<16xf32>
      %max3A_153 = arith.maximumf %scan3A_140#1, %max3A_152 : vector<16xf32>
      %swap3A_154 = arith.constant 1 : i32
      %swap3A_155 = arith.index_cast %swap3A_154 : i32 to index
      %swap3A_156 = arith.constant 16 : index
      %swap3A_157 = tpu.vector_load %arg11[%swap3A_155, %swap3A_156] {strides = array<i32>} : memref<4x128xf32, #tpu.memory_space<vmem>>, vector<1x16xf32>,
      %swap3A_158 = vector.shape_cast %swap3A_157 : vector<1x16xf32> to vector<16xf32>
      %swap3A_159 = vector.shape_cast %max3A_153 : vector<16xf32> to vector<1x16xf32>
      tpu.vector_store %arg11[%swap3A_155, %swap3A_156], %swap3A_159 {strides = array<i32>} : memref<4x128xf32, #tpu.memory_space<vmem>>, vector<1x16xf32>,
      %max3A_160 = arith.constant 0.000000e+00 : f32
      %max3A_161 = vector.broadcast %max3A_160 : f32 to vector<16xf32>
      %max3A_162 = arith.maximumf %scan3A_140#2, %max3A_161 : vector<16xf32>
      %swap3A_163 = arith.constant 1 : i32
      %swap3A_164 = arith.index_cast %swap3A_163 : i32 to index
      %swap3A_165 = arith.constant 32 : index
      %swap3A_166 = tpu.vector_load %arg11[%swap3A_164, %swap3A_165] {strides = array<i32>} : memref<4x128xf32, #tpu.memory_space<vmem>>, vector<1x16xf32>,
      %swap3A_167 = vector.shape_cast %swap3A_166 : vector<1x16xf32> to vector<16xf32>
      %swap3A_168 = vector.shape_cast %max3A_162 : vector<16xf32> to vector<1x16xf32>
      tpu.vector_store %arg11[%swap3A_164, %swap3A_165], %swap3A_168 {strides = array<i32>} : memref<4x128xf32, #tpu.memory_space<vmem>>, vector<1x16xf32>,
      %max3A_169 = arith.constant 0.000000e+00 : f32
      %max3A_170 = vector.broadcast %max3A_169 : f32 to vector<16xf32>
      %max3A_171 = arith.maximumf %scan3A_140#3, %max3A_170 : vector<16xf32>
      %swap3A_172 = arith.constant 1 : i32
      %swap3A_173 = arith.index_cast %swap3A_172 : i32 to index
      %swap3A_174 = arith.constant 48 : index
      %swap3A_175 = tpu.vector_load %arg11[%swap3A_173, %swap3A_174] {strides = array<i32>} : memref<4x128xf32, #tpu.memory_space<vmem>>, vector<1x16xf32>,
      %swap3A_176 = vector.shape_cast %swap3A_175 : vector<1x16xf32> to vector<16xf32>
      %swap3A_177 = vector.shape_cast %max3A_171 : vector<16xf32> to vector<1x16xf32>
      tpu.vector_store %arg11[%swap3A_173, %swap3A_174], %swap3A_177 {strides = array<i32>} : memref<4x128xf32, #tpu.memory_space<vmem>>, vector<1x16xf32>,
      %max3A_178 = arith.constant 0.000000e+00 : f32
      %max3A_179 = vector.broadcast %max3A_178 : f32 to vector<16xf32>
      %max3A_180 = arith.maximumf %scan3A_140#4, %max3A_179 : vector<16xf32>
      %swap3A_181 = arith.constant 1 : i32
      %swap3A_182 = arith.index_cast %swap3A_181 : i32 to index
      %swap3A_183 = arith.constant 64 : index
      %swap3A_184 = tpu.vector_load %arg11[%swap3A_182, %swap3A_183] {strides = array<i32>} : memref<4x128xf32, #tpu.memory_space<vmem>>, vector<1x16xf32>,
      %swap3A_185 = vector.shape_cast %swap3A_184 : vector<1x16xf32> to vector<16xf32>
      %swap3A_186 = vector.shape_cast %max3A_180 : vector<16xf32> to vector<1x16xf32>
      tpu.vector_store %arg11[%swap3A_182, %swap3A_183], %swap3A_186 {strides = array<i32>} : memref<4x128xf32, #tpu.memory_space<vmem>>, vector<1x16xf32>,
      %max3A_187 = arith.constant 0.000000e+00 : f32
      %max3A_188 = vector.broadcast %max3A_187 : f32 to vector<16xf32>
      %max3A_189 = arith.maximumf %scan3A_140#5, %max3A_188 : vector<16xf32>
      %swap3A_190 = arith.constant 1 : i32
      %swap3A_191 = arith.index_cast %swap3A_190 : i32 to index
      %swap3A_192 = arith.constant 80 : index
      %swap3A_193 = tpu.vector_load %arg11[%swap3A_191, %swap3A_192] {strides = array<i32>} : memref<4x128xf32, #tpu.memory_space<vmem>>, vector<1x16xf32>,
      %swap3A_194 = vector.shape_cast %swap3A_193 : vector<1x16xf32> to vector<16xf32>
      %swap3A_195 = vector.shape_cast %max3A_189 : vector<16xf32> to vector<1x16xf32>
      tpu.vector_store %arg11[%swap3A_191, %swap3A_192], %swap3A_195 {strides = array<i32>} : memref<4x128xf32, #tpu.memory_space<vmem>>, vector<1x16xf32>,
      %max3A_196 = arith.constant 0.000000e+00 : f32
      %max3A_197 = vector.broadcast %max3A_196 : f32 to vector<16xf32>
      %max3A_198 = arith.maximumf %scan3A_140#6, %max3A_197 : vector<16xf32>
      %swap3A_199 = arith.constant 1 : i32
      %swap3A_200 = arith.index_cast %swap3A_199 : i32 to index
      %swap3A_201 = arith.constant 96 : index
      %swap3A_202 = tpu.vector_load %arg11[%swap3A_200, %swap3A_201] {strides = array<i32>} : memref<4x128xf32, #tpu.memory_space<vmem>>, vector<1x16xf32>,
      %swap3A_203 = vector.shape_cast %swap3A_202 : vector<1x16xf32> to vector<16xf32>
      %swap3A_204 = vector.shape_cast %max3A_198 : vector<16xf32> to vector<1x16xf32>
      tpu.vector_store %arg11[%swap3A_200, %swap3A_201], %swap3A_204 {strides = array<i32>} : memref<4x128xf32, #tpu.memory_space<vmem>>, vector<1x16xf32>,
      %max3A_205 = arith.constant 0.000000e+00 : f32
      %max3A_206 = vector.broadcast %max3A_205 : f32 to vector<16xf32>
      %max3A_207 = arith.maximumf %scan3A_140#7, %max3A_206 : vector<16xf32>
      %swap3A_208 = arith.constant 1 : i32
      %swap3A_209 = arith.index_cast %swap3A_208 : i32 to index
      %swap3A_210 = arith.constant 112 : index
      %swap3A_211 = tpu.vector_load %arg11[%swap3A_209, %swap3A_210] {strides = array<i32>} : memref<4x128xf32, #tpu.memory_space<vmem>>, vector<1x16xf32>,
      %swap3A_212 = vector.shape_cast %swap3A_211 : vector<1x16xf32> to vector<16xf32>
      %swap3A_213 = vector.shape_cast %max3A_207 : vector<16xf32> to vector<1x16xf32>
      tpu.vector_store %arg11[%swap3A_209, %swap3A_210], %swap3A_213 {strides = array<i32>} : memref<4x128xf32, #tpu.memory_space<vmem>>, vector<1x16xf32>,
      %broadcast_in_dim3A_214 = arith.constant 0xFF800000 : f32
      %broadcast_in_dim3A_215 = vector.broadcast %broadcast_in_dim3A_214 : f32 to vector<16xf32>
      %broadcast_in_dim3A_216 = arith.constant 0xFF800000 : f32
      %broadcast_in_dim3A_217 = vector.broadcast %broadcast_in_dim3A_216 : f32 to vector<16xf32>
      %broadcast_in_dim3A_218 = arith.constant 0xFF800000 : f32
      %broadcast_in_dim3A_219 = vector.broadcast %broadcast_in_dim3A_218 : f32 to vector<16xf32>
      %broadcast_in_dim3A_220 = arith.constant 0xFF800000 : f32
      %broadcast_in_dim3A_221 = vector.broadcast %broadcast_in_dim3A_220 : f32 to vector<16xf32>
      %broadcast_in_dim3A_222 = arith.constant 0xFF800000 : f32
      %broadcast_in_dim3A_223 = vector.broadcast %broadcast_in_dim3A_222 : f32 to vector<16xf32>
      %broadcast_in_dim3A_224 = arith.constant 0xFF800000 : f32
      %broadcast_in_dim3A_225 = vector.broadcast %broadcast_in_dim3A_224 : f32 to vector<16xf32>
      %broadcast_in_dim3A_226 = arith.constant 0xFF800000 : f32
      %broadcast_in_dim3A_227 = vector.broadcast %broadcast_in_dim3A_226 : f32 to vector<16xf32>
      %broadcast_in_dim3A_228 = arith.constant 0xFF800000 : f32
      %broadcast_in_dim3A_229 = vector.broadcast %broadcast_in_dim3A_228 : f32 to vector<16xf32>
      %scan3A_230 = arith.constant 0 : i32
      %scan3A_231 = arith.constant 32 : i32
      %scan3A_232 = arith.addi %scan3A_230, %scan3A_231 : i32
      %scan3A_233 = arith.constant 1 : i32
      %scan3A_234:8 = scf.for %scan3A_405 = %scan3A_230 to %scan3A_232 step %scan3A_233 iter_args(%scan3A_406 = %broadcast_in_dim3A_215, %scan3A_407 = %broadcast_in_dim3A_217, %scan3A_408 = %broadcast_in_dim3A_219, %scan3A_409 = %broadcast_in_dim3A_221, %scan3A_410 = %broadcast_in_dim3A_223, %scan3A_411 = %broadcast_in_dim3A_225, %scan3A_412 = %broadcast_in_dim3A_227, %scan3A_413 = %broadcast_in_dim3A_229) -> (vector<16xf32>, vector<16xf32>, vector<16xf32>, vector<16xf32>, vector<16xf32>, vector<16xf32>, vector<16xf32>, vector<16xf32>)  : i32 {
        %add3A_414 = arith.constant 64 : i32
        %add3A_415 = arith.addi %add3A_414, %scan3A_405 : i32
        %get3A = arith.index_cast %add3A_415 : i32 to index
        %get3A_416 = arith.constant 0 : index
        %get3A_417 = tpu.vector_load %arg9[%get3A, %get3A_416] {strides = array<i32>} : memref<128x128xf32, #tpu.memory_space<vmem>>, vector<1x16xf32>,
        %get3A_418 = vector.shape_cast %get3A_417 : vector<1x16xf32> to vector<16xf32>
        %get3A_419 = arith.index_cast %add3A_415 : i32 to index
        %get3A_420 = arith.constant 0 : index
        %get3A_421 = tpu.vector_load %arg10[%get3A_419, %get3A_420] {strides = array<i32>} : memref<128x128xf32, #tpu.memory_space<vmem>>, vector<1x16xf32>,
        %get3A_422 = vector.shape_cast %get3A_421 : vector<1x16xf32> to vector<16xf32>
        %add3A_423 = arith.addf %get3A_418, %get3A_422 : vector<16xf32>
        %max3A_424 = arith.maximumf %scan3A_406, %add3A_423 : vector<16xf32>
        %get3A_425 = arith.index_cast %add3A_415 : i32 to index
        %get3A_426 = arith.constant 16 : index
        %get3A_427 = tpu.vector_load %arg9[%get3A_425, %get3A_426] {strides = array<i32>} : memref<128x128xf32, #tpu.memory_space<vmem>>, vector<1x16xf32>,
        %get3A_428 = vector.shape_cast %get3A_427 : vector<1x16xf32> to vector<16xf32>
        %get3A_429 = arith.index_cast %add3A_415 : i32 to index
        %get3A_430 = arith.constant 16 : index
        %get3A_431 = tpu.vector_load %arg10[%get3A_429, %get3A_430] {strides = array<i32>} : memref<128x128xf32, #tpu.memory_space<vmem>>, vector<1x16xf32>,
        %get3A_432 = vector.shape_cast %get3A_431 : vector<1x16xf32> to vector<16xf32>
        %add3A_433 = arith.addf %get3A_428, %get3A_432 : vector<16xf32>
        %max3A_434 = arith.maximumf %scan3A_407, %add3A_433 : vector<16xf32>
        %get3A_435 = arith.index_cast %add3A_415 : i32 to index
        %get3A_436 = arith.constant 32 : index
        %get3A_437 = tpu.vector_load %arg9[%get3A_435, %get3A_436] {strides = array<i32>} : memref<128x128xf32, #tpu.memory_space<vmem>>, vector<1x16xf32>,
        %get3A_438 = vector.shape_cast %get3A_437 : vector<1x16xf32> to vector<16xf32>
        %get3A_439 = arith.index_cast %add3A_415 : i32 to index
        %get3A_440 = arith.constant 32 : index
        %get3A_441 = tpu.vector_load %arg10[%get3A_439, %get3A_440] {strides = array<i32>} : memref<128x128xf32, #tpu.memory_space<vmem>>, vector<1x16xf32>,
        %get3A_442 = vector.shape_cast %get3A_441 : vector<1x16xf32> to vector<16xf32>
        %add3A_443 = arith.addf %get3A_438, %get3A_442 : vector<16xf32>
        %max3A_444 = arith.maximumf %scan3A_408, %add3A_443 : vector<16xf32>
        %get3A_445 = arith.index_cast %add3A_415 : i32 to index
        %get3A_446 = arith.constant 48 : index
        %get3A_447 = tpu.vector_load %arg9[%get3A_445, %get3A_446] {strides = array<i32>} : memref<128x128xf32, #tpu.memory_space<vmem>>, vector<1x16xf32>,
        %get3A_448 = vector.shape_cast %get3A_447 : vector<1x16xf32> to vector<16xf32>
        %get3A_449 = arith.index_cast %add3A_415 : i32 to index
        %get3A_450 = arith.constant 48 : index
        %get3A_451 = tpu.vector_load %arg10[%get3A_449, %get3A_450] {strides = array<i32>} : memref<128x128xf32, #tpu.memory_space<vmem>>, vector<1x16xf32>,
        %get3A_452 = vector.shape_cast %get3A_451 : vector<1x16xf32> to vector<16xf32>
        %add3A_453 = arith.addf %get3A_448, %get3A_452 : vector<16xf32>
        %max3A_454 = arith.maximumf %scan3A_409, %add3A_453 : vector<16xf32>
        %get3A_455 = arith.index_cast %add3A_415 : i32 to index
        %get3A_456 = arith.constant 64 : index
        %get3A_457 = tpu.vector_load %arg9[%get3A_455, %get3A_456] {strides = array<i32>} : memref<128x128xf32, #tpu.memory_space<vmem>>, vector<1x16xf32>,
        %get3A_458 = vector.shape_cast %get3A_457 : vector<1x16xf32> to vector<16xf32>
        %get3A_459 = arith.index_cast %add3A_415 : i32 to index
        %get3A_460 = arith.constant 64 : index
        %get3A_461 = tpu.vector_load %arg10[%get3A_459, %get3A_460] {strides = array<i32>} : memref<128x128xf32, #tpu.memory_space<vmem>>, vector<1x16xf32>,
        %get3A_462 = vector.shape_cast %get3A_461 : vector<1x16xf32> to vector<16xf32>
        %add3A_463 = arith.addf %get3A_458, %get3A_462 : vector<16xf32>
        %max3A_464 = arith.maximumf %scan3A_410, %add3A_463 : vector<16xf32>
        %get3A_465 = arith.index_cast %add3A_415 : i32 to index
        %get3A_466 = arith.constant 80 : index
        %get3A_467 = tpu.vector_load %arg9[%get3A_465, %get3A_466] {strides = array<i32>} : memref<128x128xf32, #tpu.memory_space<vmem>>, vector<1x16xf32>,
        %get3A_468 = vector.shape_cast %get3A_467 : vector<1x16xf32> to vector<16xf32>
        %get3A_469 = arith.index_cast %add3A_415 : i32 to index
        %get3A_470 = arith.constant 80 : index
        %get3A_471 = tpu.vector_load %arg10[%get3A_469, %get3A_470] {strides = array<i32>} : memref<128x128xf32, #tpu.memory_space<vmem>>, vector<1x16xf32>,
        %get3A_472 = vector.shape_cast %get3A_471 : vector<1x16xf32> to vector<16xf32>
        %add3A_473 = arith.addf %get3A_468, %get3A_472 : vector<16xf32>
        %max3A_474 = arith.maximumf %scan3A_411, %add3A_473 : vector<16xf32>
        %get3A_475 = arith.index_cast %add3A_415 : i32 to index
        %get3A_476 = arith.constant 96 : index
        %get3A_477 = tpu.vector_load %arg9[%get3A_475, %get3A_476] {strides = array<i32>} : memref<128x128xf32, #tpu.memory_space<vmem>>, vector<1x16xf32>,
        %get3A_478 = vector.shape_cast %get3A_477 : vector<1x16xf32> to vector<16xf32>
        %get3A_479 = arith.index_cast %add3A_415 : i32 to index
        %get3A_480 = arith.constant 96 : index
        %get3A_481 = tpu.vector_load %arg10[%get3A_479, %get3A_480] {strides = array<i32>} : memref<128x128xf32, #tpu.memory_space<vmem>>, vector<1x16xf32>,
        %get3A_482 = vector.shape_cast %get3A_481 : vector<1x16xf32> to vector<16xf32>
        %add3A_483 = arith.addf %get3A_478, %get3A_482 : vector<16xf32>
        %max3A_484 = arith.maximumf %scan3A_412, %add3A_483 : vector<16xf32>
        %get3A_485 = arith.index_cast %add3A_415 : i32 to index
        %get3A_486 = arith.constant 112 : index
        %get3A_487 = tpu.vector_load %arg9[%get3A_485, %get3A_486] {strides = array<i32>} : memref<128x128xf32, #tpu.memory_space<vmem>>, vector<1x16xf32>,
        %get3A_488 = vector.shape_cast %get3A_487 : vector<1x16xf32> to vector<16xf32>
        %get3A_489 = arith.index_cast %add3A_415 : i32 to index
        %get3A_490 = arith.constant 112 : index
        %get3A_491 = tpu.vector_load %arg10[%get3A_489, %get3A_490] {strides = array<i32>} : memref<128x128xf32, #tpu.memory_space<vmem>>, vector<1x16xf32>,
        %get3A_492 = vector.shape_cast %get3A_491 : vector<1x16xf32> to vector<16xf32>
        %add3A_493 = arith.addf %get3A_488, %get3A_492 : vector<16xf32>
        %max3A_494 = arith.maximumf %scan3A_413, %add3A_493 : vector<16xf32>
        scf.yield %max3A_424, %max3A_434, %max3A_444, %max3A_454, %max3A_464, %max3A_474, %max3A_484, %max3A_494 : vector<16xf32>, vector<16xf32>, vector<16xf32>, vector<16xf32>, vector<16xf32>, vector<16xf32>, vector<16xf32>, vector<16xf32>
      }
      %scan3A_235 = arith.constant 32 : i32
      %max3A_236 = arith.constant 0.000000e+00 : f32
      %max3A_237 = vector.broadcast %max3A_236 : f32 to vector<16xf32>
      %max3A_238 = arith.maximumf %scan3A_234#0, %max3A_237 : vector<16xf32>
      %swap3A_239 = arith.constant 2 : i32
      %swap3A_240 = arith.index_cast %swap3A_239 : i32 to index
      %swap3A_241 = arith.constant 0 : index
      %swap3A_242 = tpu.vector_load %arg11[%swap3A_240, %swap3A_241] {strides = array<i32>} : memref<4x128xf32, #tpu.memory_space<vmem>>, vector<1x16xf32>,
      %swap3A_243 = vector.shape_cast %swap3A_242 : vector<1x16xf32> to vector<16xf32>
      %swap3A_244 = vector.shape_cast %max3A_238 : vector<16xf32> to vector<1x16xf32>
      tpu.vector_store %arg11[%swap3A_240, %swap3A_241], %swap3A_244 {strides = array<i32>} : memref<4x128xf32, #tpu.memory_space<vmem>>, vector<1x16xf32>,
      %max3A_245 = arith.constant 0.000000e+00 : f32
      %max3A_246 = vector.broadcast %max3A_245 : f32 to vector<16xf32>
      %max3A_247 = arith.maximumf %scan3A_234#1, %max3A_246 : vector<16xf32>
      %swap3A_248 = arith.constant 2 : i32
      %swap3A_249 = arith.index_cast %swap3A_248 : i32 to index
      %swap3A_250 = arith.constant 16 : index
      %swap3A_251 = tpu.vector_load %arg11[%swap3A_249, %swap3A_250] {strides = array<i32>} : memref<4x128xf32, #tpu.memory_space<vmem>>, vector<1x16xf32>,
      %swap3A_252 = vector.shape_cast %swap3A_251 : vector<1x16xf32> to vector<16xf32>
      %swap3A_253 = vector.shape_cast %max3A_247 : vector<16xf32> to vector<1x16xf32>
      tpu.vector_store %arg11[%swap3A_249, %swap3A_250], %swap3A_253 {strides = array<i32>} : memref<4x128xf32, #tpu.memory_space<vmem>>, vector<1x16xf32>,
      %max3A_254 = arith.constant 0.000000e+00 : f32
      %max3A_255 = vector.broadcast %max3A_254 : f32 to vector<16xf32>
      %max3A_256 = arith.maximumf %scan3A_234#2, %max3A_255 : vector<16xf32>
      %swap3A_257 = arith.constant 2 : i32
      %swap3A_258 = arith.index_cast %swap3A_257 : i32 to index
      %swap3A_259 = arith.constant 32 : index
      %swap3A_260 = tpu.vector_load %arg11[%swap3A_258, %swap3A_259] {strides = array<i32>} : memref<4x128xf32, #tpu.memory_space<vmem>>, vector<1x16xf32>,
      %swap3A_261 = vector.shape_cast %swap3A_260 : vector<1x16xf32> to vector<16xf32>
      %swap3A_262 = vector.shape_cast %max3A_256 : vector<16xf32> to vector<1x16xf32>
      tpu.vector_store %arg11[%swap3A_258, %swap3A_259], %swap3A_262 {strides = array<i32>} : memref<4x128xf32, #tpu.memory_space<vmem>>, vector<1x16xf32>,
      %max3A_263 = arith.constant 0.000000e+00 : f32
      %max3A_264 = vector.broadcast %max3A_263 : f32 to vector<16xf32>
      %max3A_265 = arith.maximumf %scan3A_234#3, %max3A_264 : vector<16xf32>
      %swap3A_266 = arith.constant 2 : i32
      %swap3A_267 = arith.index_cast %swap3A_266 : i32 to index
      %swap3A_268 = arith.constant 48 : index
      %swap3A_269 = tpu.vector_load %arg11[%swap3A_267, %swap3A_268] {strides = array<i32>} : memref<4x128xf32, #tpu.memory_space<vmem>>, vector<1x16xf32>,
      %swap3A_270 = vector.shape_cast %swap3A_269 : vector<1x16xf32> to vector<16xf32>
      %swap3A_271 = vector.shape_cast %max3A_265 : vector<16xf32> to vector<1x16xf32>
      tpu.vector_store %arg11[%swap3A_267, %swap3A_268], %swap3A_271 {strides = array<i32>} : memref<4x128xf32, #tpu.memory_space<vmem>>, vector<1x16xf32>,
      %max3A_272 = arith.constant 0.000000e+00 : f32
      %max3A_273 = vector.broadcast %max3A_272 : f32 to vector<16xf32>
      %max3A_274 = arith.maximumf %scan3A_234#4, %max3A_273 : vector<16xf32>
      %swap3A_275 = arith.constant 2 : i32
      %swap3A_276 = arith.index_cast %swap3A_275 : i32 to index
      %swap3A_277 = arith.constant 64 : index
      %swap3A_278 = tpu.vector_load %arg11[%swap3A_276, %swap3A_277] {strides = array<i32>} : memref<4x128xf32, #tpu.memory_space<vmem>>, vector<1x16xf32>,
      %swap3A_279 = vector.shape_cast %swap3A_278 : vector<1x16xf32> to vector<16xf32>
      %swap3A_280 = vector.shape_cast %max3A_274 : vector<16xf32> to vector<1x16xf32>
      tpu.vector_store %arg11[%swap3A_276, %swap3A_277], %swap3A_280 {strides = array<i32>} : memref<4x128xf32, #tpu.memory_space<vmem>>, vector<1x16xf32>,
      %max3A_281 = arith.constant 0.000000e+00 : f32
      %max3A_282 = vector.broadcast %max3A_281 : f32 to vector<16xf32>
      %max3A_283 = arith.maximumf %scan3A_234#5, %max3A_282 : vector<16xf32>
      %swap3A_284 = arith.constant 2 : i32
      %swap3A_285 = arith.index_cast %swap3A_284 : i32 to index
      %swap3A_286 = arith.constant 80 : index
      %swap3A_287 = tpu.vector_load %arg11[%swap3A_285, %swap3A_286] {strides = array<i32>} : memref<4x128xf32, #tpu.memory_space<vmem>>, vector<1x16xf32>,
      %swap3A_288 = vector.shape_cast %swap3A_287 : vector<1x16xf32> to vector<16xf32>
      %swap3A_289 = vector.shape_cast %max3A_283 : vector<16xf32> to vector<1x16xf32>
      tpu.vector_store %arg11[%swap3A_285, %swap3A_286], %swap3A_289 {strides = array<i32>} : memref<4x128xf32, #tpu.memory_space<vmem>>, vector<1x16xf32>,
      %max3A_290 = arith.constant 0.000000e+00 : f32
      %max3A_291 = vector.broadcast %max3A_290 : f32 to vector<16xf32>
      %max3A_292 = arith.maximumf %scan3A_234#6, %max3A_291 : vector<16xf32>
      %swap3A_293 = arith.constant 2 : i32
      %swap3A_294 = arith.index_cast %swap3A_293 : i32 to index
      %swap3A_295 = arith.constant 96 : index
      %swap3A_296 = tpu.vector_load %arg11[%swap3A_294, %swap3A_295] {strides = array<i32>} : memref<4x128xf32, #tpu.memory_space<vmem>>, vector<1x16xf32>,
      %swap3A_297 = vector.shape_cast %swap3A_296 : vector<1x16xf32> to vector<16xf32>
      %swap3A_298 = vector.shape_cast %max3A_292 : vector<16xf32> to vector<1x16xf32>
      tpu.vector_store %arg11[%swap3A_294, %swap3A_295], %swap3A_298 {strides = array<i32>} : memref<4x128xf32, #tpu.memory_space<vmem>>, vector<1x16xf32>,
      %max3A_299 = arith.constant 0.000000e+00 : f32
      %max3A_300 = vector.broadcast %max3A_299 : f32 to vector<16xf32>
      %max3A_301 = arith.maximumf %scan3A_234#7, %max3A_300 : vector<16xf32>
      %swap3A_302 = arith.constant 2 : i32
      %swap3A_303 = arith.index_cast %swap3A_302 : i32 to index
      %swap3A_304 = arith.constant 112 : index
      %swap3A_305 = tpu.vector_load %arg11[%swap3A_303, %swap3A_304] {strides = array<i32>} : memref<4x128xf32, #tpu.memory_space<vmem>>, vector<1x16xf32>,
      %swap3A_306 = vector.shape_cast %swap3A_305 : vector<1x16xf32> to vector<16xf32>
      %swap3A_307 = vector.shape_cast %max3A_301 : vector<16xf32> to vector<1x16xf32>
      tpu.vector_store %arg11[%swap3A_303, %swap3A_304], %swap3A_307 {strides = array<i32>} : memref<4x128xf32, #tpu.memory_space<vmem>>, vector<1x16xf32>,
      %broadcast_in_dim3A_308 = arith.constant 0xFF800000 : f32
      %broadcast_in_dim3A_309 = vector.broadcast %broadcast_in_dim3A_308 : f32 to vector<16xf32>
      %broadcast_in_dim3A_310 = arith.constant 0xFF800000 : f32
      %broadcast_in_dim3A_311 = vector.broadcast %broadcast_in_dim3A_310 : f32 to vector<16xf32>
      %broadcast_in_dim3A_312 = arith.constant 0xFF800000 : f32
      %broadcast_in_dim3A_313 = vector.broadcast %broadcast_in_dim3A_312 : f32 to vector<16xf32>
      %broadcast_in_dim3A_314 = arith.constant 0xFF800000 : f32
      %broadcast_in_dim3A_315 = vector.broadcast %broadcast_in_dim3A_314 : f32 to vector<16xf32>
      %broadcast_in_dim3A_316 = arith.constant 0xFF800000 : f32
      %broadcast_in_dim3A_317 = vector.broadcast %broadcast_in_dim3A_316 : f32 to vector<16xf32>
      %broadcast_in_dim3A_318 = arith.constant 0xFF800000 : f32
      %broadcast_in_dim3A_319 = vector.broadcast %broadcast_in_dim3A_318 : f32 to vector<16xf32>
      %broadcast_in_dim3A_320 = arith.constant 0xFF800000 : f32
      %broadcast_in_dim3A_321 = vector.broadcast %broadcast_in_dim3A_320 : f32 to vector<16xf32>
      %broadcast_in_dim3A_322 = arith.constant 0xFF800000 : f32
      %broadcast_in_dim3A_323 = vector.broadcast %broadcast_in_dim3A_322 : f32 to vector<16xf32>
      %scan3A_324 = arith.constant 0 : i32
      %scan3A_325 = arith.constant 32 : i32
      %scan3A_326 = arith.addi %scan3A_324, %scan3A_325 : i32
      %scan3A_327 = arith.constant 1 : i32
      %scan3A_328:8 = scf.for %scan3A_405 = %scan3A_324 to %scan3A_326 step %scan3A_327 iter_args(%scan3A_406 = %broadcast_in_dim3A_309, %scan3A_407 = %broadcast_in_dim3A_311, %scan3A_408 = %broadcast_in_dim3A_313, %scan3A_409 = %broadcast_in_dim3A_315, %scan3A_410 = %broadcast_in_dim3A_317, %scan3A_411 = %broadcast_in_dim3A_319, %scan3A_412 = %broadcast_in_dim3A_321, %scan3A_413 = %broadcast_in_dim3A_323) -> (vector<16xf32>, vector<16xf32>, vector<16xf32>, vector<16xf32>, vector<16xf32>, vector<16xf32>, vector<16xf32>, vector<16xf32>)  : i32 {
        %add3A_414 = arith.constant 96 : i32
        %add3A_415 = arith.addi %add3A_414, %scan3A_405 : i32
        %get3A = arith.index_cast %add3A_415 : i32 to index
        %get3A_416 = arith.constant 0 : index
        %get3A_417 = tpu.vector_load %arg9[%get3A, %get3A_416] {strides = array<i32>} : memref<128x128xf32, #tpu.memory_space<vmem>>, vector<1x16xf32>,
        %get3A_418 = vector.shape_cast %get3A_417 : vector<1x16xf32> to vector<16xf32>
        %get3A_419 = arith.index_cast %add3A_415 : i32 to index
        %get3A_420 = arith.constant 0 : index
        %get3A_421 = tpu.vector_load %arg10[%get3A_419, %get3A_420] {strides = array<i32>} : memref<128x128xf32, #tpu.memory_space<vmem>>, vector<1x16xf32>,
        %get3A_422 = vector.shape_cast %get3A_421 : vector<1x16xf32> to vector<16xf32>
        %add3A_423 = arith.addf %get3A_418, %get3A_422 : vector<16xf32>
        %max3A_424 = arith.maximumf %scan3A_406, %add3A_423 : vector<16xf32>
        %get3A_425 = arith.index_cast %add3A_415 : i32 to index
        %get3A_426 = arith.constant 16 : index
        %get3A_427 = tpu.vector_load %arg9[%get3A_425, %get3A_426] {strides = array<i32>} : memref<128x128xf32, #tpu.memory_space<vmem>>, vector<1x16xf32>,
        %get3A_428 = vector.shape_cast %get3A_427 : vector<1x16xf32> to vector<16xf32>
        %get3A_429 = arith.index_cast %add3A_415 : i32 to index
        %get3A_430 = arith.constant 16 : index
        %get3A_431 = tpu.vector_load %arg10[%get3A_429, %get3A_430] {strides = array<i32>} : memref<128x128xf32, #tpu.memory_space<vmem>>, vector<1x16xf32>,
        %get3A_432 = vector.shape_cast %get3A_431 : vector<1x16xf32> to vector<16xf32>
        %add3A_433 = arith.addf %get3A_428, %get3A_432 : vector<16xf32>
        %max3A_434 = arith.maximumf %scan3A_407, %add3A_433 : vector<16xf32>
        %get3A_435 = arith.index_cast %add3A_415 : i32 to index
        %get3A_436 = arith.constant 32 : index
        %get3A_437 = tpu.vector_load %arg9[%get3A_435, %get3A_436] {strides = array<i32>} : memref<128x128xf32, #tpu.memory_space<vmem>>, vector<1x16xf32>,
        %get3A_438 = vector.shape_cast %get3A_437 : vector<1x16xf32> to vector<16xf32>
        %get3A_439 = arith.index_cast %add3A_415 : i32 to index
        %get3A_440 = arith.constant 32 : index
        %get3A_441 = tpu.vector_load %arg10[%get3A_439, %get3A_440] {strides = array<i32>} : memref<128x128xf32, #tpu.memory_space<vmem>>, vector<1x16xf32>,
        %get3A_442 = vector.shape_cast %get3A_441 : vector<1x16xf32> to vector<16xf32>
        %add3A_443 = arith.addf %get3A_438, %get3A_442 : vector<16xf32>
        %max3A_444 = arith.maximumf %scan3A_408, %add3A_443 : vector<16xf32>
        %get3A_445 = arith.index_cast %add3A_415 : i32 to index
        %get3A_446 = arith.constant 48 : index
        %get3A_447 = tpu.vector_load %arg9[%get3A_445, %get3A_446] {strides = array<i32>} : memref<128x128xf32, #tpu.memory_space<vmem>>, vector<1x16xf32>,
        %get3A_448 = vector.shape_cast %get3A_447 : vector<1x16xf32> to vector<16xf32>
        %get3A_449 = arith.index_cast %add3A_415 : i32 to index
        %get3A_450 = arith.constant 48 : index
        %get3A_451 = tpu.vector_load %arg10[%get3A_449, %get3A_450] {strides = array<i32>} : memref<128x128xf32, #tpu.memory_space<vmem>>, vector<1x16xf32>,
        %get3A_452 = vector.shape_cast %get3A_451 : vector<1x16xf32> to vector<16xf32>
        %add3A_453 = arith.addf %get3A_448, %get3A_452 : vector<16xf32>
        %max3A_454 = arith.maximumf %scan3A_409, %add3A_453 : vector<16xf32>
        %get3A_455 = arith.index_cast %add3A_415 : i32 to index
        %get3A_456 = arith.constant 64 : index
        %get3A_457 = tpu.vector_load %arg9[%get3A_455, %get3A_456] {strides = array<i32>} : memref<128x128xf32, #tpu.memory_space<vmem>>, vector<1x16xf32>,
        %get3A_458 = vector.shape_cast %get3A_457 : vector<1x16xf32> to vector<16xf32>
        %get3A_459 = arith.index_cast %add3A_415 : i32 to index
        %get3A_460 = arith.constant 64 : index
        %get3A_461 = tpu.vector_load %arg10[%get3A_459, %get3A_460] {strides = array<i32>} : memref<128x128xf32, #tpu.memory_space<vmem>>, vector<1x16xf32>,
        %get3A_462 = vector.shape_cast %get3A_461 : vector<1x16xf32> to vector<16xf32>
        %add3A_463 = arith.addf %get3A_458, %get3A_462 : vector<16xf32>
        %max3A_464 = arith.maximumf %scan3A_410, %add3A_463 : vector<16xf32>
        %get3A_465 = arith.index_cast %add3A_415 : i32 to index
        %get3A_466 = arith.constant 80 : index
        %get3A_467 = tpu.vector_load %arg9[%get3A_465, %get3A_466] {strides = array<i32>} : memref<128x128xf32, #tpu.memory_space<vmem>>, vector<1x16xf32>,
        %get3A_468 = vector.shape_cast %get3A_467 : vector<1x16xf32> to vector<16xf32>
        %get3A_469 = arith.index_cast %add3A_415 : i32 to index
        %get3A_470 = arith.constant 80 : index
        %get3A_471 = tpu.vector_load %arg10[%get3A_469, %get3A_470] {strides = array<i32>} : memref<128x128xf32, #tpu.memory_space<vmem>>, vector<1x16xf32>,
        %get3A_472 = vector.shape_cast %get3A_471 : vector<1x16xf32> to vector<16xf32>
        %add3A_473 = arith.addf %get3A_468, %get3A_472 : vector<16xf32>
        %max3A_474 = arith.maximumf %scan3A_411, %add3A_473 : vector<16xf32>
        %get3A_475 = arith.index_cast %add3A_415 : i32 to index
        %get3A_476 = arith.constant 96 : index
        %get3A_477 = tpu.vector_load %arg9[%get3A_475, %get3A_476] {strides = array<i32>} : memref<128x128xf32, #tpu.memory_space<vmem>>, vector<1x16xf32>,
        %get3A_478 = vector.shape_cast %get3A_477 : vector<1x16xf32> to vector<16xf32>
        %get3A_479 = arith.index_cast %add3A_415 : i32 to index
        %get3A_480 = arith.constant 96 : index
        %get3A_481 = tpu.vector_load %arg10[%get3A_479, %get3A_480] {strides = array<i32>} : memref<128x128xf32, #tpu.memory_space<vmem>>, vector<1x16xf32>,
        %get3A_482 = vector.shape_cast %get3A_481 : vector<1x16xf32> to vector<16xf32>
        %add3A_483 = arith.addf %get3A_478, %get3A_482 : vector<16xf32>
        %max3A_484 = arith.maximumf %scan3A_412, %add3A_483 : vector<16xf32>
        %get3A_485 = arith.index_cast %add3A_415 : i32 to index
        %get3A_486 = arith.constant 112 : index
        %get3A_487 = tpu.vector_load %arg9[%get3A_485, %get3A_486] {strides = array<i32>} : memref<128x128xf32, #tpu.memory_space<vmem>>, vector<1x16xf32>,
        %get3A_488 = vector.shape_cast %get3A_487 : vector<1x16xf32> to vector<16xf32>
        %get3A_489 = arith.index_cast %add3A_415 : i32 to index
        %get3A_490 = arith.constant 112 : index
        %get3A_491 = tpu.vector_load %arg10[%get3A_489, %get3A_490] {strides = array<i32>} : memref<128x128xf32, #tpu.memory_space<vmem>>, vector<1x16xf32>,
        %get3A_492 = vector.shape_cast %get3A_491 : vector<1x16xf32> to vector<16xf32>
        %add3A_493 = arith.addf %get3A_488, %get3A_492 : vector<16xf32>
        %max3A_494 = arith.maximumf %scan3A_413, %add3A_493 : vector<16xf32>
        scf.yield %max3A_424, %max3A_434, %max3A_444, %max3A_454, %max3A_464, %max3A_474, %max3A_484, %max3A_494 : vector<16xf32>, vector<16xf32>, vector<16xf32>, vector<16xf32>, vector<16xf32>, vector<16xf32>, vector<16xf32>, vector<16xf32>
      }
      %scan3A_329 = arith.constant 32 : i32
      %max3A_330 = arith.constant 0.000000e+00 : f32
      %max3A_331 = vector.broadcast %max3A_330 : f32 to vector<16xf32>
      %max3A_332 = arith.maximumf %scan3A_328#0, %max3A_331 : vector<16xf32>
      %swap3A_333 = arith.constant 3 : i32
      %swap3A_334 = arith.index_cast %swap3A_333 : i32 to index
      %swap3A_335 = arith.constant 0 : index
      %swap3A_336 = tpu.vector_load %arg11[%swap3A_334, %swap3A_335] {strides = array<i32>} : memref<4x128xf32, #tpu.memory_space<vmem>>, vector<1x16xf32>,
      %swap3A_337 = vector.shape_cast %swap3A_336 : vector<1x16xf32> to vector<16xf32>
      %swap3A_338 = vector.shape_cast %max3A_332 : vector<16xf32> to vector<1x16xf32>
      tpu.vector_store %arg11[%swap3A_334, %swap3A_335], %swap3A_338 {strides = array<i32>} : memref<4x128xf32, #tpu.memory_space<vmem>>, vector<1x16xf32>,
      %max3A_339 = arith.constant 0.000000e+00 : f32
      %max3A_340 = vector.broadcast %max3A_339 : f32 to vector<16xf32>
      %max3A_341 = arith.maximumf %scan3A_328#1, %max3A_340 : vector<16xf32>
      %swap3A_342 = arith.constant 3 : i32
      %swap3A_343 = arith.index_cast %swap3A_342 : i32 to index
      %swap3A_344 = arith.constant 16 : index
      %swap3A_345 = tpu.vector_load %arg11[%swap3A_343, %swap3A_344] {strides = array<i32>} : memref<4x128xf32, #tpu.memory_space<vmem>>, vector<1x16xf32>,
      %swap3A_346 = vector.shape_cast %swap3A_345 : vector<1x16xf32> to vector<16xf32>
      %swap3A_347 = vector.shape_cast %max3A_341 : vector<16xf32> to vector<1x16xf32>
      tpu.vector_store %arg11[%swap3A_343, %swap3A_344], %swap3A_347 {strides = array<i32>} : memref<4x128xf32, #tpu.memory_space<vmem>>, vector<1x16xf32>,
      %max3A_348 = arith.constant 0.000000e+00 : f32
      %max3A_349 = vector.broadcast %max3A_348 : f32 to vector<16xf32>
      %max3A_350 = arith.maximumf %scan3A_328#2, %max3A_349 : vector<16xf32>
      %swap3A_351 = arith.constant 3 : i32
      %swap3A_352 = arith.index_cast %swap3A_351 : i32 to index
      %swap3A_353 = arith.constant 32 : index
      %swap3A_354 = tpu.vector_load %arg11[%swap3A_352, %swap3A_353] {strides = array<i32>} : memref<4x128xf32, #tpu.memory_space<vmem>>, vector<1x16xf32>,
      %swap3A_355 = vector.shape_cast %swap3A_354 : vector<1x16xf32> to vector<16xf32>
      %swap3A_356 = vector.shape_cast %max3A_350 : vector<16xf32> to vector<1x16xf32>
      tpu.vector_store %arg11[%swap3A_352, %swap3A_353], %swap3A_356 {strides = array<i32>} : memref<4x128xf32, #tpu.memory_space<vmem>>, vector<1x16xf32>,
      %max3A_357 = arith.constant 0.000000e+00 : f32
      %max3A_358 = vector.broadcast %max3A_357 : f32 to vector<16xf32>
      %max3A_359 = arith.maximumf %scan3A_328#3, %max3A_358 : vector<16xf32>
      %swap3A_360 = arith.constant 3 : i32
      %swap3A_361 = arith.index_cast %swap3A_360 : i32 to index
      %swap3A_362 = arith.constant 48 : index
      %swap3A_363 = tpu.vector_load %arg11[%swap3A_361, %swap3A_362] {strides = array<i32>} : memref<4x128xf32, #tpu.memory_space<vmem>>, vector<1x16xf32>,
      %swap3A_364 = vector.shape_cast %swap3A_363 : vector<1x16xf32> to vector<16xf32>
      %swap3A_365 = vector.shape_cast %max3A_359 : vector<16xf32> to vector<1x16xf32>
      tpu.vector_store %arg11[%swap3A_361, %swap3A_362], %swap3A_365 {strides = array<i32>} : memref<4x128xf32, #tpu.memory_space<vmem>>, vector<1x16xf32>,
      %max3A_366 = arith.constant 0.000000e+00 : f32
      %max3A_367 = vector.broadcast %max3A_366 : f32 to vector<16xf32>
      %max3A_368 = arith.maximumf %scan3A_328#4, %max3A_367 : vector<16xf32>
      %swap3A_369 = arith.constant 3 : i32
      %swap3A_370 = arith.index_cast %swap3A_369 : i32 to index
      %swap3A_371 = arith.constant 64 : index
      %swap3A_372 = tpu.vector_load %arg11[%swap3A_370, %swap3A_371] {strides = array<i32>} : memref<4x128xf32, #tpu.memory_space<vmem>>, vector<1x16xf32>,
      %swap3A_373 = vector.shape_cast %swap3A_372 : vector<1x16xf32> to vector<16xf32>
      %swap3A_374 = vector.shape_cast %max3A_368 : vector<16xf32> to vector<1x16xf32>
      tpu.vector_store %arg11[%swap3A_370, %swap3A_371], %swap3A_374 {strides = array<i32>} : memref<4x128xf32, #tpu.memory_space<vmem>>, vector<1x16xf32>,
      %max3A_375 = arith.constant 0.000000e+00 : f32
      %max3A_376 = vector.broadcast %max3A_375 : f32 to vector<16xf32>
      %max3A_377 = arith.maximumf %scan3A_328#5, %max3A_376 : vector<16xf32>
      %swap3A_378 = arith.constant 3 : i32
      %swap3A_379 = arith.index_cast %swap3A_378 : i32 to index
      %swap3A_380 = arith.constant 80 : index
      %swap3A_381 = tpu.vector_load %arg11[%swap3A_379, %swap3A_380] {strides = array<i32>} : memref<4x128xf32, #tpu.memory_space<vmem>>, vector<1x16xf32>,
      %swap3A_382 = vector.shape_cast %swap3A_381 : vector<1x16xf32> to vector<16xf32>
      %swap3A_383 = vector.shape_cast %max3A_377 : vector<16xf32> to vector<1x16xf32>
      tpu.vector_store %arg11[%swap3A_379, %swap3A_380], %swap3A_383 {strides = array<i32>} : memref<4x128xf32, #tpu.memory_space<vmem>>, vector<1x16xf32>,
      %max3A_384 = arith.constant 0.000000e+00 : f32
      %max3A_385 = vector.broadcast %max3A_384 : f32 to vector<16xf32>
      %max3A_386 = arith.maximumf %scan3A_328#6, %max3A_385 : vector<16xf32>
      %swap3A_387 = arith.constant 3 : i32
      %swap3A_388 = arith.index_cast %swap3A_387 : i32 to index
      %swap3A_389 = arith.constant 96 : index
      %swap3A_390 = tpu.vector_load %arg11[%swap3A_388, %swap3A_389] {strides = array<i32>} : memref<4x128xf32, #tpu.memory_space<vmem>>, vector<1x16xf32>,
      %swap3A_391 = vector.shape_cast %swap3A_390 : vector<1x16xf32> to vector<16xf32>
      %swap3A_392 = vector.shape_cast %max3A_386 : vector<16xf32> to vector<1x16xf32>
      tpu.vector_store %arg11[%swap3A_388, %swap3A_389], %swap3A_392 {strides = array<i32>} : memref<4x128xf32, #tpu.memory_space<vmem>>, vector<1x16xf32>,
      %max3A_393 = arith.constant 0.000000e+00 : f32
      %max3A_394 = vector.broadcast %max3A_393 : f32 to vector<16xf32>
      %max3A_395 = arith.maximumf %scan3A_328#7, %max3A_394 : vector<16xf32>
      %swap3A_396 = arith.constant 3 : i32
      %swap3A_397 = arith.index_cast %swap3A_396 : i32 to index
      %swap3A_398 = arith.constant 112 : index
      %swap3A_399 = tpu.vector_load %arg11[%swap3A_397, %swap3A_398] {strides = array<i32>} : memref<4x128xf32, #tpu.memory_space<vmem>>, vector<1x16xf32>,
      %swap3A_400 = vector.shape_cast %swap3A_399 : vector<1x16xf32> to vector<16xf32>
      %swap3A_401 = vector.shape_cast %max3A_395 : vector<16xf32> to vector<1x16xf32>
      tpu.vector_store %arg11[%swap3A_397, %swap3A_398], %swap3A_401 {strides = array<i32>} : memref<4x128xf32, #tpu.memory_space<vmem>>, vector<1x16xf32>,
      %mul3A_402 = arith.constant 4 : i32
      %mul3A_403 = arith.muli %scan3A_12, %mul3A_402 : i32
      %add3A_404 = arith.addi %mul3A_2, %mul3A_403 : i32
      "tpu.region"() ({
        %run_scoped3A = tpu.sem_alloc : memref<!tpu.dma_semaphore, #tpu.memory_space<semaphore_mem>>
        %dma_start3A_405 = arith.constant 0 : i32
        %dma_start3A_406 = tpu.memref_slice %arg6[%add3A_404, %dma_start3A_405] : memref<10240x128xf32, #tpu.memory_space<hbm>> -> memref<4x128xf32, #tpu.memory_space<hbm>>
        %dma_start3A_407 = arith.constant 0 : i32
        %dma_start3A_408 = tpu.memref_slice %arg6[%add3A_404, %dma_start3A_407] : memref<10240x128xf32, #tpu.memory_space<hbm>> -> memref<4x128xf32, #tpu.memory_space<hbm>>
        tpu.enqueue_dma source(%arg11 : memref<4x128xf32, #tpu.memory_space<vmem>>) target(%dma_start3A_408 : memref<4x128xf32, #tpu.memory_space<hbm>>) target_semaphore(%run_scoped3A : memref<!tpu.dma_semaphore, #tpu.memory_space<semaphore_mem>>)
        %dma_wait3A_409 = arith.constant 0 : i32
        %dma_wait3A_410 = tpu.memref_slice %arg6[%add3A_404, %dma_wait3A_409] : memref<10240x128xf32, #tpu.memory_space<hbm>> -> memref<4x128xf32, #tpu.memory_space<hbm>>
        %dma_wait3A_411 = arith.constant 0 : i32
        %dma_wait3A_412 = tpu.memref_slice %arg6[%add3A_404, %dma_wait3A_411] : memref<10240x128xf32, #tpu.memory_space<hbm>> -> memref<4x128xf32, #tpu.memory_space<hbm>>
        tpu.wait_dma2 semaphore(%run_scoped3A : memref<!tpu.dma_semaphore, #tpu.memory_space<semaphore_mem>>) src(%arg11 : memref<4x128xf32, #tpu.memory_space<vmem>>) dst(%dma_wait3A_412 : memref<4x128xf32, #tpu.memory_space<hbm>>)
        tpu.yield
      }) : () -> ()
    }
    %scan3A_11 = arith.constant 80 : i32
    return
  }
}

module attributes {stable_mosaic.version = 14 : i64} {
  func.func @_tables_body(%arg0: i32, %arg1: memref<128x1024xf32, #tpu.memory_space<vmem>>, %arg2: memref<128x256xf32, #tpu.memory_space<vmem>>, %arg3: memref<1x128xf32, #tpu.memory_space<vmem>>, %arg4: memref<1024x128xf32, #tpu.memory_space<vmem>>, %arg5: memref<1024x128xf32, #tpu.memory_space<vmem>>) attributes {dimension_semantics = [#tpu.dimension_semantics<arbitrary>], iteration_bounds = array<i64: 10>, scalar_prefetch = 0 : i64, scratch_operands = 0 : i64, tpu.core_type = #tpu.core_type<tc>, window_params = [{transform_indices = @transform_0, window_bounds = array<i64: 128, 1024>}, {pipeline_mode = #tpu.pipeline_mode<synchronous>, transform_indices = @transform_1, window_bounds = array<i64: 128, 256>}, {pipeline_mode = #tpu.pipeline_mode<synchronous>, transform_indices = @transform_2, window_bounds = array<i64: 1, 128>}, {transform_indices = @transform_3, window_bounds = array<i64: 1024, 128>}, {transform_indices = @transform_4, window_bounds = array<i64: 1024, 128>}]} {
    %get3A = arith.constant 0 : index
    %get3A_0 = arith.constant 0 : index
    %get3A_1 = vector.load %arg1[%get3A, %get3A_0] : memref<128x1024xf32, #tpu.memory_space<vmem>>, vector<128x1024xf32>
    %get3A_2 = arith.constant 0 : index
    %get3A_3 = arith.constant 0 : index
    %get3A_4 = vector.load %arg2[%get3A_2, %get3A_3] : memref<128x256xf32, #tpu.memory_space<vmem>>, vector<128x256xf32>
    %slice3A = vector.extract_strided_slice %get3A_4 {offsets = [0, 0], sizes = [128, 128], strides = [1, 1]} : vector<128x256xf32> to vector<128x128xf32>
    %slice3A_5 = vector.extract_strided_slice %get3A_4 {offsets = [0, 128], sizes = [128, 128], strides = [1, 1]} : vector<128x256xf32> to vector<128x128xf32>
    %sub3A = arith.subf %slice3A, %slice3A_5 : vector<128x128xf32>
    %dot_general3A = arith.constant dense<0.000000e+00> : vector<1024x128xf32>
    %dot_general3A_6 = tpu.matmul %get3A_1, %sub3A, %dot_general3A {dimension_numbers = #tpu.dot_dimension_numbers<[0], [1], [1], [0], [0, 1, 1, 0], [], []>, transpose_lhs_hint = false} : vector<128x1024xf32>, vector<128x128xf32>, vector<1024x128xf32> -> vector<1024x128xf32>
    %get3A_7 = arith.constant 0 : index
    %get3A_8 = arith.constant 0 : index
    %get3A_9 = vector.load %arg3[%get3A_7, %get3A_8] : memref<1x128xf32, #tpu.memory_space<vmem>>, vector<1x128xf32>
    %add3A = vector.broadcast %get3A_9 : vector<1x128xf32> to vector<1024x128xf32>
    %add3A_10 = arith.addf %dot_general3A_6, %add3A : vector<1024x128xf32>
    %swap3A = arith.constant 0 : index
    %swap3A_11 = arith.constant 0 : index
    %swap3A_12 = vector.load %arg4[%swap3A, %swap3A_11] : memref<1024x128xf32, #tpu.memory_space<vmem>>, vector<1024x128xf32>
    tpu.vector_store %arg4[%swap3A, %swap3A_11], %add3A_10 {strides = array<i32>} : memref<1024x128xf32, #tpu.memory_space<vmem>>, vector<1024x128xf32>,
    %dot_general3A_13 = arith.constant dense<0.000000e+00> : vector<1024x128xf32>
    %dot_general3A_14 = tpu.matmul %get3A_1, %slice3A_5, %dot_general3A_13 {dimension_numbers = #tpu.dot_dimension_numbers<[0], [1], [1], [0], [0, 1, 1, 0], [], []>, transpose_lhs_hint = false} : vector<128x1024xf32>, vector<128x128xf32>, vector<1024x128xf32> -> vector<1024x128xf32>
    %swap3A_15 = arith.constant 0 : index
    %swap3A_16 = arith.constant 0 : index
    %swap3A_17 = vector.load %arg5[%swap3A_15, %swap3A_16] : memref<1024x128xf32, #tpu.memory_space<vmem>>, vector<1024x128xf32>
    tpu.vector_store %arg5[%swap3A_15, %swap3A_16], %dot_general3A_14 {strides = array<i32>} : memref<1024x128xf32, #tpu.memory_space<vmem>>, vector<1024x128xf32>,
    return
  }
  func.func @transform_0(%arg0: i32) -> (i32, i32) {
    %c0_i32 = arith.constant 0 : i32
    %c0_i32_0 = arith.constant 0 : i32
    return %c0_i32, %arg0 : i32, i32
  }
  func.func @transform_1(%arg0: i32) -> (i32, i32) {
    %c0_i32 = arith.constant 0 : i32
    %c0_i32_0 = arith.constant 0 : i32
    %c0_i32_1 = arith.constant 0 : i32
    return %c0_i32, %c0_i32_0 : i32, i32
  }
  func.func @transform_2(%arg0: i32) -> (i32, i32) {
    %c0_i32 = arith.constant 0 : i32
    %c0_i32_0 = arith.constant 0 : i32
    %c0_i32_1 = arith.constant 0 : i32
    return %c0_i32, %c0_i32_0 : i32, i32
  }
  func.func @transform_3(%arg0: i32) -> (i32, i32) {
    %c0_i32 = arith.constant 0 : i32
    %c0_i32_0 = arith.constant 0 : i32
    return %arg0, %c0_i32 : i32, i32
  }
  func.func @transform_4(%arg0: i32) -> (i32, i32) {
    %c0_i32 = arith.constant 0 : i32
    %c0_i32_0 = arith.constant 0 : i32
    return %arg0, %c0_i32 : i32, i32
  }
}

module attributes {stable_mosaic.version = 14 : i64} {
  func.func @_tr_body(%arg0: i32, %arg1: memref<1024x128xf32, #tpu.memory_space<vmem>>, %arg2: memref<128x1024xf32, #tpu.memory_space<vmem>>) attributes {dimension_semantics = [#tpu.dimension_semantics<arbitrary>], iteration_bounds = array<i64: 10>, scalar_prefetch = 0 : i64, scratch_operands = 0 : i64, tpu.core_type = #tpu.core_type<tc>, window_params = [{transform_indices = @transform_0, window_bounds = array<i64: 1024, 128>}, {transform_indices = @transform_1, window_bounds = array<i64: 128, 1024>}]} {
    %get3A = arith.constant 0 : index
    %get3A_0 = arith.constant 0 : index
    %get3A_1 = vector.load %arg1[%get3A, %get3A_0] : memref<1024x128xf32, #tpu.memory_space<vmem>>, vector<1024x128xf32>
    %transpose3A = tpu.transpose %get3A_1, [1, 0] : vector<1024x128xf32> -> vector<128x1024xf32>
    %swap3A = arith.constant 0 : index
    %swap3A_2 = arith.constant 0 : index
    %swap3A_3 = vector.load %arg2[%swap3A, %swap3A_2] : memref<128x1024xf32, #tpu.memory_space<vmem>>, vector<128x1024xf32>
    tpu.vector_store %arg2[%swap3A, %swap3A_2], %transpose3A {strides = array<i32>} : memref<128x1024xf32, #tpu.memory_space<vmem>>, vector<128x1024xf32>,
    return
  }
  func.func @transform_0(%arg0: i32) -> (i32, i32) {
    %c0_i32 = arith.constant 0 : i32
    %c0_i32_0 = arith.constant 0 : i32
    return %arg0, %c0_i32 : i32, i32
  }
  func.func @transform_1(%arg0: i32) -> (i32, i32) {
    %c0_i32 = arith.constant 0 : i32
    %c0_i32_0 = arith.constant 0 : i32
    return %c0_i32, %arg0 : i32, i32
  }
}

</mosaic_0001>

<sc_bundles>
// kernel: kernel.5.cloned.1.call-start
scs
__scs_entry_jumppad:
0x0: {  	(pc) =	sbr.rel $0x88, $3  }
0x1: {  	(tag) =	ssettag $0x0;
	lr =	simm.s32 $0x1  }
0x2: {  	[smem:$0x3F9D] =	sst lr;
	_ =	strace $0xD0000000  }
0x3: {  	_ = 	snop  }
0x4: {  	_ = 	snop  }
0x5: {  	_ = 	snop  }
0x6: {  	_ = 	snop  }
0x7: {  	_ = 	snop  }
__scs_overlays_trampoline_lowered:
0x8: {  	[smem:$0x3FAC] =	sst s0  }
0x9: {  	[smem:$0x3FAD] =	sst s1  }
0xa: {  	[smem:$0x3FAE] =	sst s2  }
0xb: {  	[smem:$0x3FAF] =	sst s3  }
0xc: {  	[smem:$0x3FB0] =	sst s4  }
0xd: {  	[smem:$0x3FB1] =	sst s5  }
0xe: {  	[smem:$0x3FB2] =	sst s6  }
0xf: {  	[smem:$0x3FB3] =	sst s7  }
0x10: {  	[smem:$0x3FB4] =	sst s8  }
0x11: {  	[smem:$0x3FB5] =	sst s9;
	s0 =	simm.s32 @!p0 $0x0  }
0x12: {  	s1 =	sld [smem:$0x3F9B];
	s0 =	simm.s32 @p0 $0x1  }
0x13: {  	[smem:$0x3FB6] =	sst s0;
	s0 =	simm.s32 @!p1 $0x0  }
0x14: {  	s2 =	sld [smem:$0x3F9A];
	s0 =	simm.s32 @p1 $0x1  }
0x15: {  	[smem:$0x3FB7] =	sst s0;
	s0 =	simm.s32 @!p2 $0x0  }
0x16: {  	s3 =	sld [smem:$0x3FDB];
	s0 =	simm.s32 @p2 $0x1  }
0x17: {  	s4 =	simm.s32 $0x1BF5;
	[smem:$0x3FB9] =	sst s0  }
0x18: {  	s0 =	sld [smem:$0x3F9C];
	_ =	swait.ge [sflag:s4], $0x0  }
0x19: {  	s7 =	sld [smem:$0x3F9D]  }
0x1a: {  	s8 =	sadd.s32 $0xFFFFE003, lr  }
0x1b: {  	s9 =	sadd.s32 $0xFFFFFEF7, lr;
	s5 =	simm.s32 $0xFFFFFFFF;
	p2 =	slt.u32 s8, $0xFFFFF086  }
0x1c: {  	p1 =	slt.u32 s9, $0xF7A;
	s5 =	simm.s32 @!p2 $0x0  }
0x1d: {  	s5 =	simm.s32 @p1 $0x1;
	p0 =	seq.s32 s7, s2  }
0x1e: {  	s7 =	smul.u32 @!p0 $0xF7A, s2;
	p2 =	seq.s32 @!p0 s5, $0x0  }
0x1f: {  	s9 =	smul.u32 $0xF7A, s1;
	s8 =	simm.s32 @!p0 $0x1BF5;
	p2 =	por !p2, p0  }
0x20: {  	[sflag:s8] =	ssyncset.s32 @!p0 $0xFFFFF086;
	s6 =	sadd.s32 @!p0 s3, s7;
	s7 =	simm.s32 @!p0 $0x108  }
0x21: {  	s3 =	sadd.s32 s3, s9;
	s6 =	sadd.s32 @!p0 $0x88, s6;
	s7 =	simm.s32 @p2 $0x1082  }
0x22: {  	[simem:s7], [sflag:s8] =	dma.local @!p0 [hbm:s6], $0xF7A  }
0x23: {  	s9 =	sor.u32 $0xD0000000, s2;
	s6 =	simm.s32 $0x108;
	_ =	swait.ge @!p0 [sflag:s8], $0x0  }
0x24: {  	s3 =	sadd.s32 $0x88, s3;
	s6 =	simm.s32 @!p1 $0x1082;
	[sflag:s4] =	ssyncset.s32 $0xFFFFF086  }
0x25: {  	[simem:s6], [sflag:s4] =	dma.local [hbm:s3], $0xF7A  }
0x26: {  	[smem:$0x3F9D] =	sst s1;
	(tag) =	ssettag s2;
	_ =	strace s9  }
0x27: {  	s1 =	sld [smem:$0x3FAD]  }
0x28: {  	s2 =	sld [smem:$0x3FAE]  }
0x29: {  	s4 =	sld [smem:$0x3FB0]  }
0x2a: {  	p0 =	seq.s32 s5, $0x0;
	s5 =	sld [smem:$0x3FB1]  }
0x2b: {  	s6 =	sld [smem:$0x3FB2]  }
0x2c: {  	s7 =	sld [smem:$0x3FB3]  }
0x2d: {  	s3 =	simm.s32 $0x108;
	s8 =	sld [smem:$0x3FB4]  }
0x2e: {  	s3 =	simm.s32 @!p0 $0x1082;
	s9 =	sld [smem:$0x3FB5]  }
0x2f: {  	lr =	sadd.s32 s0, s3;
	s0 =	sld [smem:$0x3FAC]  }
0x30: {  	s3 =	sld [smem:$0x3FAF]  }
0x31: {  	[smem:$0x3FB8] =	sst s10  }
0x32: {  	s10 =	sld [smem:$0x3FB6];
	_ =	sdelay $0x3  }
0x33: {  	p0 =	seq.s32 s10, $0x1;
	s10 =	sld [smem:$0x3FB8];
	_ =	sdelay $0x3  }
0x34: {  	[smem:$0x3FB8] =	sst s10  }
0x35: {  	s10 =	sld [smem:$0x3FB7];
	_ =	sdelay $0x3  }
0x36: {  	p1 =	seq.s32 s10, $0x1;
	s10 =	sld [smem:$0x3FB8];
	_ =	sdelay $0x3  }
0x37: {  	[smem:$0x3FB8] =	sst s10  }
0x38: {  	s10 =	sld [smem:$0x3FB9]  }
0x39: {  	_ = 	snop;
	(pc) =	sbr.ind lr, $3  }
0x3a: {  	_ = 	snop  }
0x3b: {  	_ = 	snop  }
0x3c: {  	p2 =	seq.s32 s10, $0x1;
	s10 =	sld [smem:$0x3FB8]  }
0x3d: {  	_ =	shalt  }
0x3e: {  	_ =	shalt  }
0x3f: {  	_ =	shalt  }
0x40: {  	_ =	shalt  }
0x41: {  	_ =	shalt  }
0x42: {  	_ =	shalt  }
0x43: {  	_ =	shalt  }
0x44: {  	_ =	shalt  }
0x45: {  	_ =	shalt  }
0x46: {  	_ =	shalt  }
0x47: {  	_ =	shalt  }
0x48: {  	_ =	shalt  }
0x49: {  	_ =	shalt  }
0x4a: {  	_ =	shalt  }
0x4b: {  	_ =	shalt  }
0x4c: {  	_ =	shalt  }
0x4d: {  	_ =	shalt  }
0x4e: {  	_ =	shalt  }
0x4f: {  	_ =	shalt  }
0x50: {  	_ =	shalt  }
0x51: {  	_ =	shalt  }
0x52: {  	_ =	shalt  }
0x53: {  	_ =	shalt  }
0x54: {  	_ =	shalt  }
0x55: {  	_ =	shalt  }
0x56: {  	_ =	shalt  }
0x57: {  	_ =	shalt  }
0x58: {  	_ =	shalt  }
0x59: {  	_ =	shalt  }
0x5a: {  	_ =	shalt  }
0x5b: {  	_ =	shalt  }
0x5c: {  	_ =	shalt  }
0x5d: {  	_ =	shalt  }
0x5e: {  	_ =	shalt  }
0x5f: {  	_ =	shalt  }
0x60: {  	_ =	shalt  }
0x61: {  	_ =	shalt  }
0x62: {  	_ =	shalt  }
0x63: {  	_ =	shalt  }
0x64: {  	_ =	shalt  }
0x65: {  	_ =	shalt  }
0x66: {  	_ =	shalt  }
0x67: {  	_ =	shalt  }
0x68: {  	_ =	shalt  }
0x69: {  	_ =	shalt  }
0x6a: {  	_ =	shalt  }
0x6b: {  	_ =	shalt  }
0x6c: {  	_ =	shalt  }
0x6d: {  	_ =	shalt  }
0x6e: {  	_ =	shalt  }
0x6f: {  	_ =	shalt  }
0x70: {  	_ =	shalt  }
0x71: {  	_ =	shalt  }
0x72: {  	_ =	shalt  }
0x73: {  	_ =	shalt  }
0x74: {  	_ =	shalt  }
0x75: {  	_ =	shalt  }
0x76: {  	_ =	shalt  }
0x77: {  	_ =	shalt  }
0x78: {  	_ =	shalt  }
0x79: {  	_ =	shalt  }
0x7a: {  	_ =	shalt  }
0x7b: {  	_ =	shalt  }
0x7c: {  	_ =	shalt  }
0x7d: {  	_ =	shalt  }
0x7e: {  	_ =	shalt  }
0x7f: {  	_ =	shalt  }
0x80: {  	_ =	shalt  }
0x81: {  	_ =	shalt  }
0x82: {  	_ =	shalt  }
0x83: {  	_ =	shalt  }
0x84: {  	_ =	shalt  }
0x85: {  	_ =	shalt  }
0x86: {  	_ =	shalt  }
0x87: {  	_ =	shalt  }
.Lfunc_end0:
.L_simem_size_0:
called_computation_lowered:
.L_overlay_start_0:
0x88: {  	s2 =	sld [smem:$0x3FD9]  }
0x89: {  	s3 =	sld [smem:$0x3FFE];
	_ =	sdelay $0x1  }
0x8a: {  	s1 =	srdreg.scid  }
0x8b: {  	s0 =	sand.u32 $0x1, s1  }
0x8c: {  	s17 =	sshll.u32 s0, $0xA;
	s2 =	sadd.s32 s3, s2  }
0x8d: {  	s2 =	sadd.s32 s2, s17  }
0x8e: {  	[smem:$0x3FC4] =	sst s2  }
0x8f: {  	_ = 	snop  }
0x90: {  	s2 =	sld [smem:$0x3FD0];
	(tm) =	ssettm $0x1  }
0x91: {  	s18 =	sld [smem:$0x3FFB];
	_ =	sdelay $0x3  }
0x92: {  	_ =	strace s18  }
0x93: {  	s3 =	sld [smem:$0x3FFC];
	_ =	sdelay $0x3  }
0x94: {  	_ =	strace s3  }
0x95: {  	s3 =	sld [smem:$0x3FFD];
	_ =	sdelay $0x3  }
0x96: {  	_ =	strace s3  }
0x97: {  	_ =	strace $0x8FFFFFFF  }
0x98: {  	s19 =	sld [smem:$0x3FDB];
	_ =	sdelay $0x1  }
0x99: {  	s4 =	simm.s32 $_scs_section_size  }
0x9a: {  	s5 =	simm.s32 $_size__tile_overlayer_lowered;
	s6 =	simm.s32 $_tile_overlayer_lowered  }
0x9b: {  	s22 =	simm.s32 $0x1BFF;
	s21 =	sshll.u32 s6, $0x1;
	s3 =	sadd.s32 s4, s19  }
0x9c: {  	s7 =	simm.s32 $0x0;
	s20 =	sshll.u32 s5, $0x1;
	s5 =	sadd.s32 s21, s3  }
0x9d: {  	[timem:s7], [sflag:s22] =	dma.local [hbm:s5], s20  }
0x9e: {  	_ =	swait.ge [sflag:s22], s20  }
0x9f: {  	s4 =	ssub.s32 $0x0, s20;
	[sflag:s22] =	ssyncset.done $0x0  }
0xa0: {  	[sflag:s22] =	ssyncadd.s32 s4;
	_ =	sdelay $0x1  }
0xa1: {  	s23 =	simm.s32 $0x1B8B  }
0xa2: {  	_ =	swait.ge [sflag:s23], $0x1  }
0xa3: {  	[sflag:s23] =	ssyncset.done $0x0  }
0xa4: {  	s25 =	simm.s32 $0x1B8E;
	s24 =	sld [smem:$0x3FFE];
	[sflag:s23] =	ssyncadd.s32 $0xFFFFFFFF  }
0xa5: {  	s26 =	simm.s32 $execute0_lowered;
	[smem:$0x3FD2] =	sst s25  }
0xa6: {  	s5 =	sshll.u32 s26, $0x1;
	_ =	strace $0x80000046;
	[dreg:$0x1] =	wrdreg $0xFFFFFFFF  }
0xa7: {  	s28 =	simm.s32 $_size_execute0_lowered;
	s3 =	sadd.s32 s3, s5;
	[dreg:$0x0] =	wrdreg $0x0  }
0xa8: {  	s5 =	sshll.u32 s28, $0x1;
	[dreg:$0x2] =	wrdreg s3  }
0xa9: {  	[dreg:$0x3] =	wrdreg s5  }
0xaa: {  	[dreg:$0x4] =	wrdreg $0xC0  }
0xab: {  	_ =	task [dreg:s7], $0x5FFFF  }
0xac: {  	[dreg:$0x1] =	wrdreg $0xFFFFFFFF  }
0xad: {  	[dreg:$0x0] =	wrdreg $0x60  }
0xae: {  	[dreg:$0x2] =	wrdreg s24  }
0xaf: {  	[dreg:$0x3] =	wrdreg s2  }
0xb0: {  	[dreg:$0x4] =	wrdreg $0x9  }
0xb1: {  	_ =	task.clear_ibuf [dreg:s7], $0x5FFFF;
	_ =	strace $0x90000046  }
0xb2: {  	s29 =	simm.s32 $0x9;
	_ =	strace $0x80000048  }
0xb3: {  	_ =	swait.ge [sflag:s29], $0x1  }
0xb4: {  	[sflag:s29] =	ssyncadd.s32 $0xFFFFFFFF  }
0xb5: {  	_ =	strace $0x90000048  }
0xb6: {  	_ =	sfence  }
0xb7: {  	s30 =	sld [smem:$0x0];
	_ =	sdelay $0x2  }
0xb8: {  	s31 =	sshll.u32 s1, $0xD;
	s1 =	sshrl.u32 s1, $0x2  }
0xb9: {  	s3 =	sand.u32 $0x4000, s31;
	s1 =	sadd.s32 s1, s30  }
0xba: {  	s0 =	sor.u32 s3, s0;
	s1 =	sshll.u32 s1, $0x11  }
0xbb: {  	s0 =	sor.u32 s1, s0  }
0xbc: {  	s0 =	sadd.s32 $0x8F2B, s0  }
0xbd: {  	[sflag:s0] =	ssyncadd.remote.s32 $0x1  }
0xbe: {  	_ =	sfence.sel $0xFFFF  }
0xbf: {  	[dreg:$0x0] =	wrdreg $0xFFFFFFFF;
	(pc) =	sbr.abs _section_cstart, $3  }
0xc0: {  	[dreg:$0x1] =	wrdreg $0xFFFFFFFF  }
0xc1: {  	_ =	task.clear_ibuf [dreg:s7], $0x2FFFF;
	_ =	strace $0x9FFFFFFF  }
0xc2: {  	(tm) =	ssettm $0x7FFFFFFF  }
0xc3: {  	_ =	shalt  }
tec
execute0_lowered:
.L_overlay_start_1:
0x0: {  	(tag) =	ssettag $0x1  }
0x1: {  	s5 =	rddreg [dreg:$0x0];
	s1 =	srdreg.scid  }
0x2: {  	s0 =	stileid.u32;
	s6 =	rddreg [dreg:$0x1];
	s2 =	simm.s32 $0x0  }
0x3: {  	s12 =	simm.s32 $0x80;
	s13 =	simm.s32 $0x5000;
	s14 =	simm.s32 $0x9000  }
0x4: {  	s15 =	simm.s32 $0x1;
	s16 =	simm.s32 $0x2;
	s17 =	simm.s32 $0xD000  }
0x5: {  	s4 =	sand.u32 $0x1, s1;
	s3 =	sshll.u32 s0, $0x1;
	s1 =	rddreg [dreg:$0x2]  }
0x6: {  	s18 =	simm.s32 $0x0;
	[smem:$0x7FF] =	sst s2;
	s8 =	sor.u32 s4, s3  }
0x7: {  	_ =	strace $0x80000047;
	s3 =	sadd.s32 $0xBA00, s5;
	s9 =	ssub.s32 $0x2, s4  }
0x8: {  	s4 =	sadd.s32 $0x33A00, s5;
	s7 =	smul.u32 $0x500, s8;
	s11 =	sshrl.u32 s9, $0x1  }
0x9: {  	s8 =	smul.u32 $0xA000, s8;
	s9 =	ssub.s32 s9, s11;
	s11 =	simm.s32 $0x2800  }
0xa: {  	s10 =	sadd.s32 s7, s5;
	s5 =	sadd.s32 $0x5BA00, s5;
	s6 =	sadd.s32 s6, s7  }
0xb: {  	s9 =	smax.u32 s9, $0x1;
	s7 =	sadd.s32 $0x1A00, s10;
	s10 =	simm.s32 $0x3  }
.LBB2_1:
0xc: {  	[tilespmem:s2], [sflag:$0x3] =	stream.linear.gather [hbm4b:s6+s2], $0x2800, $0x38;
	[tilespmem:$0xD200] =	vst v63  }
0xd: {  	_ =	swait.ge [sflag:s10], $0x2800  }
0xe: {  	[sflag:s10] =	ssyncset.done $0x0  }
0xf: {  	[sflag:s10] =	ssyncadd.s32 $0xFFFFD800  }
0x10: {  	[tilespmem:s11], [sflag:$0x3] =	stream.linear.gather [hbm4b:s7+s2], $0x2800, $0x38;
	[tilespmem:$0xD200] =	vst v63  }
0x11: {  	_ =	swait.ge [sflag:s10], $0x2800  }
0x12: {  	[sflag:s10] =	ssyncset.done $0x0  }
0x13: {  	s19 =	simm.s32 $0x0;
	[sflag:s10] =	ssyncadd.s32 $0xFFFFD800  }
.LBB2_2:
0x14: {  	s20 =	sshll.u32 s19, $0x7  }
0x15: {  	[tilespmem:s13], [sflag:$0x1] =	stream.indirect.gather [hbm4b:s3+s12], $0x80, s20, s12, $0xb8;
	[tilespmem:$0xD200] =	vst v63  }
0x16: {  	s20 =	sadd.s32 $0x2800, s20  }
0x17: {  	[tilespmem:s14], [sflag:$0x2] =	stream.indirect.gather [hbm4b:s4+s12], $0x80, s20, s12, $0xb8;
	[tilespmem:$0xD200] =	vst v63  }
0x18: {  	_ =	swait.ge [sflag:s15], $0x4000  }
0x19: {  	[sflag:s15] =	ssyncset.done $0x0  }
0x1a: {  	[sflag:s15] =	ssyncadd.s32 $0xFFFFC000  }
0x1b: {  	_ =	swait.ge [sflag:s16], $0x4000  }
0x1c: {  	[sflag:s16] =	ssyncset.done $0x0  }
0x1d: {  	s21 =	simm.s32 $0x0;
	[sflag:s16] =	ssyncadd.s32 $0xFFFFC000  }
0x1e: {  	v0 =	vld [tilespmem:s21+$0x5070]  }
0x1f: {  	v1 =	vld [tilespmem:s21+$0x9070]  }
0x20: {  	v2 =	vld [tilespmem:s21+$0x5000]  }
0x21: {  	v3 =	vld [tilespmem:s21+$0x9000]  }
0x22: {  	v4 =	vld [tilespmem:s21+$0x5010]  }
0x23: {  	v5 =	vld [tilespmem:s21+$0x9010]  }
0x24: {  	v7 =	vld [tilespmem:s21+$0x5020]  }
0x25: {  	v9 =	vld [tilespmem:s21+$0x9020]  }
0x26: {  	v10 =	vld [tilespmem:s21+$0x5030]  }
0x27: {  	v12 =	vld [tilespmem:s21+$0x9030];
	_ =	sdelay $0x1  }
0x28: {  	v13 =	vld [tilespmem:s21+$0x5040]  }
0x29: {  	v0 =	vadd.f32 v1, v0;
	v1 =	vld [tilespmem:s21+$0x9040]  }
0x2a: {  	v8 =	vld [tilespmem:s21+$0x5050];
	v2 =	vadd.f32 v3, v2;
	v3 =	vadd.f32 v5, v4  }
0x2b: {  	v6 =	vimm.f32 $-Inf;
	v11 =	vld [tilespmem:s21+$0x9050];
	v7 =	vadd.f32 v9, v7;
	v10 =	vadd.f32 v12, v10  }
0x2c: {  	v9 =	vld [tilespmem:s21+$0x5060];
	v0 =	vmax.f32 v6, v0;
	v4 =	vmax.f32 v6, v2  }
0x2d: {  	s20 =	simm.s32 $0x80;
	v12 =	vld [tilespmem:s21+$0x9060];
	v5 =	vmax.f32 v6, v3;
	v3 =	vmax.f32 v6, v7;
	v2 =	vmax.f32 v6, v10  }
0x2e: {  	s21 =	simm.s32 $0x400;
	v10 =	vld [tilespmem:s20+$0x5070];
	v7 =	vimm.f32 $-Inf;
	v13 =	vadd.f32 v1, v13;
	v1 =	vimm.f32 $-Inf  }
.LBB2_3:
0x2f: {  	p0 =	sne.s32 s21, $0x3E00;
	v14 =	vld [tilespmem:s20+$0x9070]  }
0x30: {  	v15 =	vld [tilespmem:s20+$0x5000];
	v6 =	vmax.f32 v6, v13;
	v8 =	vadd.f32 v11, v8  }
0x31: {  	v11 =	vld [tilespmem:s20+$0x9000]  }
0x32: {  	v13 =	vld [tilespmem:s20+$0x5010];
	v7 =	vmax.f32 v7, v8;
	v8 =	vadd.f32 v12, v9  }
0x33: {  	v9 =	vld [tilespmem:s20+$0x9010]  }
0x34: {  	v12 =	vld [tilespmem:s20+$0x5020];
	v10 =	vadd.f32 v14, v10;
	v1 =	vmax.f32 v1, v8  }
0x35: {  	v8 =	vld [tilespmem:s20+$0x9020]  }
0x36: {  	v11 =	vadd.f32 v11, v15;
	v14 =	vld [tilespmem:s20+$0x5030];
	v0 =	vmax.f32 v0, v10  }
0x37: {  	v10 =	vld [tilespmem:s20+$0x9030]  }
0x38: {  	v4 =	vmax.f32 v4, v11;
	v9 =	vadd.f32 v9, v13;
	v13 =	vld [tilespmem:s20+$0x5040]  }
0x39: {  	v15 =	vld [tilespmem:s20+$0x9040]  }
.Ltmp0:
0x3a: {  	v5 =	vmax.f32 v5, v9;
	v9 =	vadd.f32 v8, v12;
	v8 =	vld [tilespmem:s20+$0x5050];
	(pc) =	sbr.rel @p0 .LBB2_3-.Ltmp0, $4  }
0x3b: {  	v11 =	vld [tilespmem:s20+$0x9050]  }
0x3c: {  	v3 =	vmax.f32 v3, v9;
	v14 =	vadd.f32 v10, v14;
	v9 =	vld [tilespmem:s20+$0x5060]  }
0x3d: {  	v12 =	vld [tilespmem:s20+$0x9060];
	s20 =	sshra.s32 s21, $0x2  }
0x3e: {  	s21 =	sadd.s32 $0x200, s21;
	v10 =	vld [tilespmem:s20+$0x5070];
	v2 =	vmax.f32 v2, v14;
	v13 =	vadd.f32 v15, v13  }
0x3f: {  	v14 =	vld [tilespmem:s20+$0x9070]  }
0x40: {  	v15 =	vld [tilespmem:s20+$0x5000]  }
0x41: {  	v16 =	vld [tilespmem:s20+$0x9000]  }
0x42: {  	v17 =	vld [tilespmem:s20+$0x5010]  }
0x43: {  	v18 =	vld [tilespmem:s20+$0x9010]  }
0x44: {  	v19 =	vld [tilespmem:s20+$0x5020]  }
0x45: {  	v20 =	vld [tilespmem:s20+$0x9020]  }
0x46: {  	v21 =	vld [tilespmem:s20+$0x5030]  }
0x47: {  	v22 =	vld [tilespmem:s20+$0x9030]  }
0x48: {  	v23 =	vld [tilespmem:s20+$0x5040]  }
0x49: {  	v24 =	vld [tilespmem:s20+$0x9040]  }
0x4a: {  	v25 =	vld [tilespmem:s20+$0x5050];
	v8 =	vadd.f32 v11, v8  }
0x4b: {  	v11 =	vld [tilespmem:s20+$0x9050];
	v6 =	vmax.f32 v6, v13;
	v13 =	vadd.f32 v16, v15  }
0x4c: {  	v7 =	vmax.f32 v7, v8;
	v8 =	vadd.f32 v12, v9;
	v12 =	vld [tilespmem:s20+$0x9060];
	v10 =	vadd.f32 v14, v10  }
0x4d: {  	v15 =	vld [tilespmem:s20+$0x5060];
	v9 =	vadd.f32 v18, v17;
	v4 =	vmax.f32 v4, v13  }
0x4e: {  	v13 =	vadd.f32 v20, v19;
	v0 =	vmax.f32 v0, v10;
	v4 =	vmax.f32 v4, $0.0e+00  }
0x4f: {  	v5 =	vmax.f32 v5, v9;
	v9 =	vadd.f32 v22, v21;
	v0 =	vmax.f32 v0, $0.0e+00;
	[tilespmem:$0xD000] =	vst v4  }
0x50: {  	v3 =	vmax.f32 v3, v13;
	v13 =	vadd.f32 v24, v23;
	v4 =	vmax.f32 v5, $0.0e+00;
	[tilespmem:$0xD070] =	vst v0  }
0x51: {  	v2 =	vmax.f32 v2, v9;
	v5 =	vadd.f32 v11, v25;
	[tilespmem:$0xD010] =	vst v4;
	v3 =	vmax.f32 v3, $0.0e+00  }
0x52: {  	v2 =	vmax.f32 v2, $0.0e+00;
	v4 =	vmax.f32 v6, v13;
	v6 =	vadd.f32 v12, v15;
	[tilespmem:$0xD020] =	vst v3  }
0x53: {  	v1 =	vmax.f32 v1, v8;
	v3 =	vmax.f32 v7, v5;
	[tilespmem:$0xD030] =	vst v2;
	v2 =	vmax.f32 v4, $0.0e+00  }
0x54: {  	v1 =	vmax.f32 v1, v6;
	[tilespmem:$0xD040] =	vst v2;
	v2 =	vmax.f32 v3, $0.0e+00  }
0x55: {  	[tilespmem:$0xD050] =	vst v2;
	v1 =	vmax.f32 v1, $0.0e+00  }
0x56: {  	s21 =	simm.s32 $0x0;
	[tilespmem:$0xD060] =	vst v1  }
0x57: {  	v0 =	vld [tilespmem:s21+$0x6070]  }
0x58: {  	v1 =	vld [tilespmem:s21+$0xA070]  }
0x59: {  	v2 =	vld [tilespmem:s21+$0x6000]  }
0x5a: {  	v3 =	vld [tilespmem:s21+$0xA000]  }
0x5b: {  	v4 =	vld [tilespmem:s21+$0x6010]  }
0x5c: {  	v5 =	vld [tilespmem:s21+$0xA010]  }
0x5d: {  	v7 =	vld [tilespmem:s21+$0x6020]  }
0x5e: {  	v9 =	vld [tilespmem:s21+$0xA020]  }
0x5f: {  	v10 =	vld [tilespmem:s21+$0x6030]  }
0x60: {  	v12 =	vld [tilespmem:s21+$0xA030];
	_ =	sdelay $0x1  }
0x61: {  	v13 =	vld [tilespmem:s21+$0x6040]  }
0x62: {  	v0 =	vadd.f32 v1, v0;
	v1 =	vld [tilespmem:s21+$0xA040]  }
0x63: {  	v8 =	vld [tilespmem:s21+$0x6050];
	v2 =	vadd.f32 v3, v2;
	v3 =	vadd.f32 v5, v4  }
0x64: {  	v6 =	vimm.f32 $-Inf;
	v11 =	vld [tilespmem:s21+$0xA050];
	v7 =	vadd.f32 v9, v7;
	v10 =	vadd.f32 v12, v10  }
0x65: {  	v9 =	vld [tilespmem:s21+$0x6060];
	v0 =	vmax.f32 v6, v0;
	v4 =	vmax.f32 v6, v2  }
0x66: {  	s20 =	simm.s32 $0x80;
	v12 =	vld [tilespmem:s21+$0xA060];
	v5 =	vmax.f32 v6, v3;
	v3 =	vmax.f32 v6, v7;
	v2 =	vmax.f32 v6, v10  }
0x67: {  	s21 =	simm.s32 $0x400;
	v10 =	vld [tilespmem:s20+$0x6070];
	v7 =	vimm.f32 $-Inf;
	v13 =	vadd.f32 v1, v13;
	v1 =	vimm.f32 $-Inf  }
.LBB2_5:
0x68: {  	p0 =	sne.s32 s21, $0x3E00;
	v14 =	vld [tilespmem:s20+$0xA070]  }
0x69: {  	v15 =	vld [tilespmem:s20+$0x6000];
	v6 =	vmax.f32 v6, v13;
	v8 =	vadd.f32 v11, v8  }
0x6a: {  	v11 =	vld [tilespmem:s20+$0xA000]  }
0x6b: {  	v13 =	vld [tilespmem:s20+$0x6010];
	v7 =	vmax.f32 v7, v8;
	v8 =	vadd.f32 v12, v9  }
0x6c: {  	v9 =	vld [tilespmem:s20+$0xA010]  }
0x6d: {  	v12 =	vld [tilespmem:s20+$0x6020];
	v10 =	vadd.f32 v14, v10;
	v1 =	vmax.f32 v1, v8  }
0x6e: {  	v8 =	vld [tilespmem:s20+$0xA020]  }
0x6f: {  	v11 =	vadd.f32 v11, v15;
	v14 =	vld [tilespmem:s20+$0x6030];
	v0 =	vmax.f32 v0, v10  }
0x70: {  	v10 =	vld [tilespmem:s20+$0xA030]  }
0x71: {  	v4 =	vmax.f32 v4, v11;
	v9 =	vadd.f32 v9, v13;
	v13 =	vld [tilespmem:s20+$0x6040]  }
0x72: {  	v15 =	vld [tilespmem:s20+$0xA040]  }
.Ltmp1:
0x73: {  	v5 =	vmax.f32 v5, v9;
	v9 =	vadd.f32 v8, v12;
	v8 =	vld [tilespmem:s20+$0x6050];
	(pc) =	sbr.rel @p0 .LBB2_5-.Ltmp1, $4  }
0x74: {  	v11 =	vld [tilespmem:s20+$0xA050]  }
0x75: {  	v3 =	vmax.f32 v3, v9;
	v14 =	vadd.f32 v10, v14;
	v9 =	vld [tilespmem:s20+$0x6060]  }
0x76: {  	v12 =	vld [tilespmem:s20+$0xA060];
	s20 =	sshra.s32 s21, $0x2  }
0x77: {  	s21 =	sadd.s32 $0x200, s21;
	v10 =	vld [tilespmem:s20+$0x6070];
	v2 =	vmax.f32 v2, v14;
	v13 =	vadd.f32 v15, v13  }
0x78: {  	v14 =	vld [tilespmem:s20+$0xA070]  }
0x79: {  	v15 =	vld [tilespmem:s20+$0x6000]  }
0x7a: {  	v16 =	vld [tilespmem:s20+$0xA000]  }
0x7b: {  	v17 =	vld [tilespmem:s20+$0x6010]  }
0x7c: {  	v18 =	vld [tilespmem:s20+$0xA010]  }
0x7d: {  	v19 =	vld [tilespmem:s20+$0x6020]  }
0x7e: {  	v20 =	vld [tilespmem:s20+$0xA020]  }
0x7f: {  	v21 =	vld [tilespmem:s20+$0x6030]  }
0x80: {  	v22 =	vld [tilespmem:s20+$0xA030]  }
0x81: {  	v23 =	vld [tilespmem:s20+$0x6040]  }
0x82: {  	v24 =	vld [tilespmem:s20+$0xA040]  }
0x83: {  	v25 =	vld [tilespmem:s20+$0x6050];
	v8 =	vadd.f32 v11, v8  }
0x84: {  	v11 =	vld [tilespmem:s20+$0xA050];
	v6 =	vmax.f32 v6, v13;
	v13 =	vadd.f32 v16, v15  }
0x85: {  	v7 =	vmax.f32 v7, v8;
	v8 =	vadd.f32 v12, v9;
	v12 =	vld [tilespmem:s20+$0xA060];
	v10 =	vadd.f32 v14, v10  }
0x86: {  	v15 =	vld [tilespmem:s20+$0x6060];
	v9 =	vadd.f32 v18, v17;
	v4 =	vmax.f32 v4, v13  }
0x87: {  	v13 =	vadd.f32 v20, v19;
	v0 =	vmax.f32 v0, v10;
	v4 =	vmax.f32 v4, $0.0e+00  }
0x88: {  	v5 =	vmax.f32 v5, v9;
	v9 =	vadd.f32 v22, v21;
	v0 =	vmax.f32 v0, $0.0e+00;
	[tilespmem:$0xD080] =	vst v4  }
0x89: {  	v3 =	vmax.f32 v3, v13;
	v13 =	vadd.f32 v24, v23;
	v4 =	vmax.f32 v5, $0.0e+00;
	[tilespmem:$0xD0F0] =	vst v0  }
0x8a: {  	v2 =	vmax.f32 v2, v9;
	v5 =	vadd.f32 v11, v25;
	[tilespmem:$0xD090] =	vst v4;
	v3 =	vmax.f32 v3, $0.0e+00  }
0x8b: {  	v2 =	vmax.f32 v2, $0.0e+00;
	v4 =	vmax.f32 v6, v13;
	v6 =	vadd.f32 v12, v15;
	[tilespmem:$0xD0A0] =	vst v3  }
0x8c: {  	v1 =	vmax.f32 v1, v8;
	v3 =	vmax.f32 v7, v5;
	[tilespmem:$0xD0B0] =	vst v2;
	v2 =	vmax.f32 v4, $0.0e+00  }
0x8d: {  	v1 =	vmax.f32 v1, v6;
	[tilespmem:$0xD0C0] =	vst v2;
	v2 =	vmax.f32 v3, $0.0e+00  }
0x8e: {  	[tilespmem:$0xD0D0] =	vst v2;
	v1 =	vmax.f32 v1, $0.0e+00  }
0x8f: {  	s21 =	simm.s32 $0x0;
	[tilespmem:$0xD0E0] =	vst v1  }
0x90: {  	v0 =	vld [tilespmem:s21+$0x7070]  }
0x91: {  	v1 =	vld [tilespmem:s21+$0xB070]  }
0x92: {  	v2 =	vld [tilespmem:s21+$0x7000]  }
0x93: {  	v3 =	vld [tilespmem:s21+$0xB000]  }
0x94: {  	v4 =	vld [tilespmem:s21+$0x7010]  }
0x95: {  	v5 =	vld [tilespmem:s21+$0xB010]  }
0x96: {  	v7 =	vld [tilespmem:s21+$0x7020]  }
0x97: {  	v9 =	vld [tilespmem:s21+$0xB020]  }
0x98: {  	v10 =	vld [tilespmem:s21+$0x7030]  }
0x99: {  	v12 =	vld [tilespmem:s21+$0xB030];
	_ =	sdelay $0x1  }
0x9a: {  	v13 =	vld [tilespmem:s21+$0x7040]  }
0x9b: {  	v0 =	vadd.f32 v1, v0;
	v1 =	vld [tilespmem:s21+$0xB040]  }
0x9c: {  	v8 =	vld [tilespmem:s21+$0x7050];
	v2 =	vadd.f32 v3, v2;
	v3 =	vadd.f32 v5, v4  }
0x9d: {  	v6 =	vimm.f32 $-Inf;
	v11 =	vld [tilespmem:s21+$0xB050];
	v7 =	vadd.f32 v9, v7;
	v10 =	vadd.f32 v12, v10  }
0x9e: {  	v9 =	vld [tilespmem:s21+$0x7060];
	v0 =	vmax.f32 v6, v0;
	v4 =	vmax.f32 v6, v2  }
0x9f: {  	s20 =	simm.s32 $0x80;
	v12 =	vld [tilespmem:s21+$0xB060];
	v5 =	vmax.f32 v6, v3;
	v3 =	vmax.f32 v6, v7;
	v2 =	vmax.f32 v6, v10  }
0xa0: {  	s21 =	simm.s32 $0x400;
	v10 =	vld [tilespmem:s20+$0x7070];
	v7 =	vimm.f32 $-Inf;
	v13 =	vadd.f32 v1, v13;
	v1 =	vimm.f32 $-Inf  }
.LBB2_7:
0xa1: {  	p0 =	sne.s32 s21, $0x3E00;
	v14 =	vld [tilespmem:s20+$0xB070]  }
0xa2: {  	v15 =	vld [tilespmem:s20+$0x7000];
	v6 =	vmax.f32 v6, v13;
	v8 =	vadd.f32 v11, v8  }
0xa3: {  	v11 =	vld [tilespmem:s20+$0xB000]  }
0xa4: {  	v13 =	vld [tilespmem:s20+$0x7010];
	v7 =	vmax.f32 v7, v8;
	v8 =	vadd.f32 v12, v9  }
0xa5: {  	v9 =	vld [tilespmem:s20+$0xB010]  }
0xa6: {  	v12 =	vld [tilespmem:s20+$0x7020];
	v10 =	vadd.f32 v14, v10;
	v1 =	vmax.f32 v1, v8  }
0xa7: {  	v8 =	vld [tilespmem:s20+$0xB020]  }
0xa8: {  	v11 =	vadd.f32 v11, v15;
	v14 =	vld [tilespmem:s20+$0x7030];
	v0 =	vmax.f32 v0, v10  }
0xa9: {  	v10 =	vld [tilespmem:s20+$0xB030]  }
0xaa: {  	v4 =	vmax.f32 v4, v11;
	v9 =	vadd.f32 v9, v13;
	v13 =	vld [tilespmem:s20+$0x7040]  }
0xab: {  	v15 =	vld [tilespmem:s20+$0xB040]  }
.Ltmp2:
0xac: {  	v5 =	vmax.f32 v5, v9;
	v9 =	vadd.f32 v8, v12;
	v8 =	vld [tilespmem:s20+$0x7050];
	(pc) =	sbr.rel @p0 .LBB2_7-.Ltmp2, $4  }
0xad: {  	v11 =	vld [tilespmem:s20+$0xB050]  }
0xae: {  	v3 =	vmax.f32 v3, v9;
	v14 =	vadd.f32 v10, v14;
	v9 =	vld [tilespmem:s20+$0x7060]  }
0xaf: {  	v12 =	vld [tilespmem:s20+$0xB060];
	s20 =	sshra.s32 s21, $0x2  }
0xb0: {  	s21 =	sadd.s32 $0x200, s21;
	v10 =	vld [tilespmem:s20+$0x7070];
	v2 =	vmax.f32 v2, v14;
	v13 =	vadd.f32 v15, v13  }
0xb1: {  	v14 =	vld [tilespmem:s20+$0xB070]  }
0xb2: {  	v15 =	vld [tilespmem:s20+$0x7000]  }
0xb3: {  	v16 =	vld [tilespmem:s20+$0xB000]  }
0xb4: {  	v17 =	vld [tilespmem:s20+$0x7010]  }
0xb5: {  	v18 =	vld [tilespmem:s20+$0xB010]  }
0xb6: {  	v19 =	vld [tilespmem:s20+$0x7020]  }
0xb7: {  	v20 =	vld [tilespmem:s20+$0xB020]  }
0xb8: {  	v21 =	vld [tilespmem:s20+$0x7030]  }
0xb9: {  	v22 =	vld [tilespmem:s20+$0xB030]  }
0xba: {  	v23 =	vld [tilespmem:s20+$0x7040]  }
0xbb: {  	v24 =	vld [tilespmem:s20+$0xB040]  }
0xbc: {  	v25 =	vld [tilespmem:s20+$0x7050];
	v8 =	vadd.f32 v11, v8  }
0xbd: {  	v11 =	vld [tilespmem:s20+$0xB050];
	v6 =	vmax.f32 v6, v13;
	v13 =	vadd.f32 v16, v15  }
0xbe: {  	v7 =	vmax.f32 v7, v8;
	v8 =	vadd.f32 v12, v9;
	v12 =	vld [tilespmem:s20+$0xB060];
	v10 =	vadd.f32 v14, v10  }
0xbf: {  	v15 =	vld [tilespmem:s20+$0x7060];
	v9 =	vadd.f32 v18, v17;
	v4 =	vmax.f32 v4, v13  }
0xc0: {  	v13 =	vadd.f32 v20, v19;
	v0 =	vmax.f32 v0, v10;
	v4 =	vmax.f32 v4, $0.0e+00  }
0xc1: {  	v5 =	vmax.f32 v5, v9;
	v9 =	vadd.f32 v22, v21;
	v0 =	vmax.f32 v0, $0.0e+00;
	[tilespmem:$0xD100] =	vst v4  }
0xc2: {  	v3 =	vmax.f32 v3, v13;
	v13 =	vadd.f32 v24, v23;
	v4 =	vmax.f32 v5, $0.0e+00;
	[tilespmem:$0xD170] =	vst v0  }
0xc3: {  	v2 =	vmax.f32 v2, v9;
	v5 =	vadd.f32 v11, v25;
	[tilespmem:$0xD110] =	vst v4;
	v3 =	vmax.f32 v3, $0.0e+00  }
0xc4: {  	v2 =	vmax.f32 v2, $0.0e+00;
	v4 =	vmax.f32 v6, v13;
	v6 =	vadd.f32 v12, v15;
	[tilespmem:$0xD120] =	vst v3  }
0xc5: {  	v1 =	vmax.f32 v1, v8;
	v3 =	vmax.f32 v7, v5;
	[tilespmem:$0xD130] =	vst v2;
	v2 =	vmax.f32 v4, $0.0e+00  }
0xc6: {  	v1 =	vmax.f32 v1, v6;
	[tilespmem:$0xD140] =	vst v2;
	v2 =	vmax.f32 v3, $0.0e+00  }
0xc7: {  	[tilespmem:$0xD150] =	vst v2;
	v1 =	vmax.f32 v1, $0.0e+00  }
0xc8: {  	s21 =	simm.s32 $0x0;
	[tilespmem:$0xD160] =	vst v1  }
0xc9: {  	v0 =	vld [tilespmem:s21+$0x8070]  }
0xca: {  	v1 =	vld [tilespmem:s21+$0xC070]  }
0xcb: {  	v2 =	vld [tilespmem:s21+$0x8000]  }
0xcc: {  	v3 =	vld [tilespmem:s21+$0xC000]  }
0xcd: {  	v4 =	vld [tilespmem:s21+$0x8010]  }
0xce: {  	v5 =	vld [tilespmem:s21+$0xC010]  }
0xcf: {  	v7 =	vld [tilespmem:s21+$0x8020]  }
0xd0: {  	v9 =	vld [tilespmem:s21+$0xC020]  }
0xd1: {  	v10 =	vld [tilespmem:s21+$0x8030]  }
0xd2: {  	v12 =	vld [tilespmem:s21+$0xC030];
	_ =	sdelay $0x1  }
0xd3: {  	v13 =	vld [tilespmem:s21+$0x8040]  }
0xd4: {  	v0 =	vadd.f32 v1, v0;
	v1 =	vld [tilespmem:s21+$0xC040]  }
0xd5: {  	v8 =	vld [tilespmem:s21+$0x8050];
	v2 =	vadd.f32 v3, v2;
	v3 =	vadd.f32 v5, v4  }
0xd6: {  	v6 =	vimm.f32 $-Inf;
	v11 =	vld [tilespmem:s21+$0xC050];
	v7 =	vadd.f32 v9, v7;
	v10 =	vadd.f32 v12, v10  }
0xd7: {  	v9 =	vld [tilespmem:s21+$0x8060];
	v0 =	vmax.f32 v6, v0;
	v4 =	vmax.f32 v6, v2  }
0xd8: {  	s20 =	simm.s32 $0x80;
	v12 =	vld [tilespmem:s21+$0xC060];
	v5 =	vmax.f32 v6, v3;
	v3 =	vmax.f32 v6, v7;
	v2 =	vmax.f32 v6, v10  }
0xd9: {  	s21 =	simm.s32 $0x400;
	v10 =	vld [tilespmem:s20+$0x8070];
	v7 =	vimm.f32 $-Inf;
	v13 =	vadd.f32 v1, v13;
	v1 =	vimm.f32 $-Inf  }
.LBB2_9:
0xda: {  	p0 =	sne.s32 s21, $0x3E00;
	v14 =	vld [tilespmem:s20+$0xC070]  }
0xdb: {  	v15 =	vld [tilespmem:s20+$0x8000];
	v6 =	vmax.f32 v6, v13;
	v8 =	vadd.f32 v11, v8  }
0xdc: {  	v11 =	vld [tilespmem:s20+$0xC000]  }
0xdd: {  	v13 =	vld [tilespmem:s20+$0x8010];
	v7 =	vmax.f32 v7, v8;
	v8 =	vadd.f32 v12, v9  }
0xde: {  	v9 =	vld [tilespmem:s20+$0xC010]  }
0xdf: {  	v12 =	vld [tilespmem:s20+$0x8020];
	v10 =	vadd.f32 v14, v10;
	v1 =	vmax.f32 v1, v8  }
0xe0: {  	v8 =	vld [tilespmem:s20+$0xC020]  }
0xe1: {  	v11 =	vadd.f32 v11, v15;
	v14 =	vld [tilespmem:s20+$0x8030];
	v0 =	vmax.f32 v0, v10  }
0xe2: {  	v10 =	vld [tilespmem:s20+$0xC030]  }
0xe3: {  	v4 =	vmax.f32 v4, v11;
	v9 =	vadd.f32 v9, v13;
	v13 =	vld [tilespmem:s20+$0x8040]  }
0xe4: {  	v15 =	vld [tilespmem:s20+$0xC040]  }
.Ltmp3:
0xe5: {  	v5 =	vmax.f32 v5, v9;
	v9 =	vadd.f32 v8, v12;
	v8 =	vld [tilespmem:s20+$0x8050];
	(pc) =	sbr.rel @p0 .LBB2_9-.Ltmp3, $4  }
0xe6: {  	v11 =	vld [tilespmem:s20+$0xC050]  }
0xe7: {  	v3 =	vmax.f32 v3, v9;
	v14 =	vadd.f32 v10, v14;
	v9 =	vld [tilespmem:s20+$0x8060]  }
0xe8: {  	v12 =	vld [tilespmem:s20+$0xC060];
	s20 =	sshra.s32 s21, $0x2  }
0xe9: {  	s21 =	sadd.s32 $0x200, s21;
	v10 =	vld [tilespmem:s20+$0x8070];
	v2 =	vmax.f32 v2, v14;
	v13 =	vadd.f32 v15, v13  }
0xea: {  	v14 =	vld [tilespmem:s20+$0xC070]  }
0xeb: {  	v15 =	vld [tilespmem:s20+$0x8000]  }
0xec: {  	v16 =	vld [tilespmem:s20+$0xC000]  }
0xed: {  	v17 =	vld [tilespmem:s20+$0x8010]  }
0xee: {  	v18 =	vld [tilespmem:s20+$0xC010]  }
0xef: {  	v19 =	vld [tilespmem:s20+$0x8020]  }
0xf0: {  	v20 =	vld [tilespmem:s20+$0xC020]  }
0xf1: {  	v21 =	vld [tilespmem:s20+$0x8030]  }
0xf2: {  	v22 =	vld [tilespmem:s20+$0xC030]  }
0xf3: {  	v23 =	vld [tilespmem:s20+$0x8040]  }
0xf4: {  	v24 =	vld [tilespmem:s20+$0xC040]  }
0xf5: {  	v25 =	vld [tilespmem:s20+$0x8050]  }
0xf6: {  	v48 =	vld [tilespmem:s20+$0xC050];
	v8 =	vadd.f32 v11, v8  }
0xf7: {  	v50 =	vld [tilespmem:s20+$0x8060];
	v6 =	vmax.f32 v6, v13;
	v49 =	vadd.f32 v16, v15  }
0xf8: {  	v53 =	vld [tilespmem:s20+$0xC060];
	v7 =	vmax.f32 v7, v8;
	v51 =	vadd.f32 v12, v9;
	v52 =	vadd.f32 v18, v17  }
0xf9: {  	v10 =	vadd.f32 v14, v10;
	v54 =	vadd.f32 v20, v19;
	v4 =	vmax.f32 v4, v49  }
0xfa: {  	v55 =	vadd.f32 v22, v21;
	v5 =	vmax.f32 v5, v52;
	v4 =	vmax.f32 v4, $0.0e+00  }
0xfb: {  	v56 =	vadd.f32 v24, v23;
	v3 =	vmax.f32 v3, v54;
	v57 =	vmax.f32 v5, $0.0e+00;
	[tilespmem:$0xD180] =	vst v4  }
0xfc: {  	v58 =	vadd.f32 v48, v25;
	v2 =	vmax.f32 v2, v55;
	v3 =	vmax.f32 v3, $0.0e+00;
	[tilespmem:$0xD190] =	vst v57  }
0xfd: {  	s31 =	sshll.u32 s19, $0x9;
	v60 =	vadd.f32 v53, v50;
	v59 =	vmax.f32 v6, v56;
	v2 =	vmax.f32 v2, $0.0e+00;
	[tilespmem:$0xD1A0] =	vst v3  }
0xfe: {  	s21 =	sadd.s32 s8, s31;
	v1 =	vmax.f32 v1, v51;
	v61 =	vmax.f32 v7, v58;
	v62 =	vmax.f32 v59, $0.0e+00;
	[tilespmem:$0xD1B0] =	vst v2  }
0xff: {  	s20 =	sand.u32 $0x200, s31;
	s21 =	sand.u32 $0x3FFC00, s21;
	v1 =	vmax.f32 v1, v60;
	v63 =	vmax.f32 v61, $0.0e+00;
	[tilespmem:$0xD1C0] =	vst v62  }
0x100: {  	s19 =	sadd.s32 $0x1, s19;
	s20 =	sor.u32 s20, s21;
	v0 =	vmax.f32 v0, v10;
	v1 =	vmax.f32 v1, $0.0e+00;
	[tilespmem:$0xD1D0] =	vst v63  }
0x101: {  	p0 =	sne.s32 s19, $0x50;
	s20 =	sshrl.u32 s20, $0x3;
	v0 =	vmax.f32 v0, $0.0e+00;
	[tilespmem:$0xD1E0] =	vst v1  }
.Ltmp4:
0x102: {  	s20 =	sadd.s32 s5, s20;
	[tilespmem:$0xD1F0] =	vst v0;
	(pc) =	sbr.rel @p0 .LBB2_2-.Ltmp4, $4  }
0x103: {  	[hbm4b:s20+s2] =	stream.linear.scatter [tilespmem:s17], [sflag:$0x3], $0x200, $0x38;
	[tilespmem:$0xD200] =	vst v63  }
0x104: {  	_ =	swait.ge [sflag:s10], $0x200  }
0x105: {  	[sflag:s10] =	ssyncset.done $0x0  }
0x106: {  	[sflag:s10] =	ssyncadd.s32 $0xFFFFFE00  }
0x107: {  	s18 =	sadd.s32 $0x1, s18  }
0x108: {  	p0 =	sne.s32 s18, s9  }
.Ltmp5:
0x109: {  	_ = 	snop;
	(pc) =	sbr.rel @p0 .LBB2_1-.Ltmp5, $1  }
0x10a: {  	_ =	sdelay $0x3  }
0x10b: {  	_ =	sfence.sel $0x180000  }
0x10c: {  	[bflag:$0x0] =	sbarrier.arrive $0xFFFF  }
0x10d: {  	p0 =	sne.s32 s0, $0x0;
	_ =	strace $0x90000047  }
0x10e: {  	s0 =	sadd.s32 @!p0 $0x100000, s1;
	[bflag:$0x2] =	sbarrier.arrive $0xFFFF  }
0x10f: {  	[sflag:s0] =	ssyncadd.tile.s32 @!p0 $0x1;
	_ =	shalt  }
.Lfunc_end2:
_tile_overlayer_lowered:
.L_overlay_start_2:
0x110: {  	(tag) =	ssettag $0x2  }
0x111: {  	s0 =	rddreg [dreg:$0x0];
	s2 =	stileid.u32  }
0x112: {  	s1 =	rddreg [dreg:$0x1];
	p0 =	sne.s32 s2, $0x0  }
0x113: {  	s3 =	rddreg [dreg:$0x2];
	[bflag:$0x3] =	sbarrier.arrive $0xFFFF;
	s2 =	simm.s32 @!p0 $0x1C03  }
0x114: {  	[timem:s3], [sflag:s2] =	dma.local @!p0 [hbm:s0], s1  }
0x115: {  	s0 =	simm.s32 @!p0 $0x3  }
0x116: {  	_ =	swait.ge @!p0 [sflag:s0], s1  }
0x117: {  	s1 =	ssub.s32 @!p0 $0x0, s1;
	[sflag:s0] =	ssyncset.done @!p0 $0x0  }
0x118: {  	[sflag:s0] =	ssyncadd.s32 @!p0 s1  }
0x119: {  	[bflag:$0x3] =	sbarrier.arrive $0xFFFF  }
0x11a: {  	_ =	shalt  }

</sc_bundles>
